<compile_context>
chip_gen: v7x
topology: tpu7x:2x2x1
jax: 0.10.2.dev20260603
libtpu: 0.0.44.dev20260713+nightly
codegen_flags: <defaults>
</compile_context>

<pallas_src>
import functools
import math

import jax
import jax.numpy as jnp
from jax import lax
from jax.experimental import pallas as pl
from jax.experimental.pallas import tpu as pltpu
from jax.experimental.pallas import tpu_sc as plsc

_N = 32768
_K = math.ceil(0.1 * _N)
_ROWS = 64
_NTILES = 32
_SC_ROWS = 32
_RPT = _SC_ROWS // _NTILES
_CHUNKS = _N // 16

_mesh = plsc.VectorSubcoreMesh(core_axis_name="c", subcore_axis_name="s")


_LEVELS = ((23, 256, None), (15, 256, 23), (7, 256, 15), (0, 128, 7))
_LVL_BITS = (8, 8, 8, 7)


def _sc_body(x_hbm, out_hbm, data_v, res_v, cnt_h, ctot_v, suff_v):
    wid = lax.axis_index("s") * 2 + lax.axis_index("c")
    base = wid * _RPT
    pltpu.sync_copy(x_hbm.at[pl.ds(base, _RPT)], data_v)

    res = jnp.zeros((16,), jnp.float32)
    lane = lax.iota(jnp.int32, 16)
    ones_f = jnp.ones((16,), jnp.float32)
    zeros_f = jnp.zeros((16,), jnp.float32)

    @plsc.parallel_loop(0, 4096, step=16, unroll=8, carry=jnp.int32(0))
    def _z(i, acc):
        cnt_h[pl.ds(i, 16)] = zeros_f
        return acc

    for r in range(_RPT):
        kp = jnp.float32(_K)
        pref = jnp.int32(0)
        tot = zeros_f

        for li, (sh, nb, psh) in enumerate(_LEVELS):
            mk = (1 << _LVL_BITS[li]) - 1

            if li == 0:
                @plsc.parallel_loop(0, _N, step=16, unroll=8, carry=zeros_f)
                def tot_acc(i, acc):
                    v = jnp.maximum(data_v[r, pl.ds(i, 16)], 0.0)
                    b = plsc.bitcast(v, jnp.int32) >> 23
                    plsc.addupdate_scatter(cnt_h, [(b << 4) | lane], ones_f)
                    return acc + v

                tot = tot_acc
            else:
                pm_splat = jnp.full((16,), pref, jnp.int32)

                @plsc.parallel_loop(0, _N, step=16, unroll=8,
                                    carry=jnp.int32(0))
                def _sp(i, acc):
                    bits = plsc.bitcast(data_v[r, pl.ds(i, 16)], jnp.int32)
                    b = (bits >> sh) & mk
                    pm = (bits >> psh) == pm_splat
                    plsc.addupdate_scatter(cnt_h, [(b << 4) | lane], ones_f,
                                           mask=pm)
                    return acc

            @plsc.parallel_loop(0, nb, step=1, unroll=4, carry=jnp.int32(0))
            def _ct(b, acc):
                cv = cnt_h[pl.ds(b * 16, 16)]
                cs = plsc.cumsum(cv)
                plsc.store_scatter(ctot_v, [jnp.full((16,), b, jnp.int32)],
                                   cs, mask=lane == 15)
                cnt_h[pl.ds(b * 16, 16)] = zeros_f
                return acc

            nchunk = nb // 16

            def _suf(i, carry):
                run, nb_acc = carry
                c = nchunk - 1 - i
                x = ctot_v[pl.ds(c * 16, 16)]
                cs = plsc.cumsum(x)
                ct = cs[15]
                ss_vec = (ct - cs) + run
                suff_v[pl.ds(c * 16, 16)] = ss_vec
                a_vec = ss_vec + x
                nb_acc = nb_acc + jnp.where(a_vec >= kp, 1, 0)
                return run + ct, nb_acc

            _run, nb_acc = lax.fori_loop(
                0, nchunk, _suf, (jnp.float32(0.0), jnp.zeros((16,), jnp.int32))
            )
            bkt = jnp.sum(nb_acc) - 1
            ss_b = plsc.load_gather(suff_v, [jnp.full((16,), bkt, jnp.int32)])
            kp = kp - ss_b[0]
            pref = (pref << _LVL_BITS[li]) | bkt

        t_bits = pref
        t_vec = plsc.bitcast(jnp.full((16,), t_bits, jnp.int32), jnp.float32)

        @plsc.parallel_loop(0, _N, step=16, unroll=8,
                            carry=(zeros_f, zeros_f))
        def sc_pair(i, carry):
            s, c = carry
            v = data_v[r, pl.ds(i, 16)]
            gt = plsc.bitcast(v, jnp.int32) > t_bits
            return s + jnp.where(gt, v, 0.0), c + jnp.where(gt, 1.0, 0.0)

        s_vec, c_vec = sc_pair
        s = jnp.sum(s_vec)
        c = jnp.sum(c_vec)
        t = t_vec[0]
        tot_s = jnp.sum(tot)
        topk = s + t * (_K - c)
        cost = topk * (1.0 / _K) - (tot_s - topk) * (1.0 / (_N - _K))
        res = res + jnp.where(lane == r, cost, 0.0)

    res_v[...] = res
    pltpu.sync_copy(res_v, out_hbm.at[wid])


_sc_call = functools.partial(
    pl.kernel,
    out_type=jax.ShapeDtypeStruct((_NTILES, 16), jnp.float32),
    mesh=_mesh,
    compiler_params=pltpu.CompilerParams(needs_layout_passes=False),
    scratch_types=[
        pltpu.VMEM((_RPT, _N), jnp.float32),
        pltpu.VMEM((16,), jnp.float32),
        pltpu.VMEM((4096,), jnp.float32),
        pltpu.VMEM((256,), jnp.float32),
        pltpu.VMEM((256,), jnp.float32),
    ],
)


def _tc_rows_body(x_ref, o_ref):
    n = x_ref.shape[1]
    k = _K
    x = x_ref[...]
    bits = lax.bitcast_convert_type(x, jnp.int32)

    rows = x_ref.shape[0]
    lo0 = jnp.zeros((rows, 1), jnp.int32)
    hi0 = jnp.full((rows, 1), 0x7F800000, jnp.int32)

    def step(_, carry):
        lo, hi = carry
        mid = lo + ((hi - lo) >> 1)
        cnt = jnp.sum((bits >= mid).astype(jnp.int32), axis=1, keepdims=True)
        ge = cnt >= k
        return jnp.where(ge, mid, lo), jnp.where(ge, hi, mid)

    lo, _hi = lax.fori_loop(0, 31, step, (lo0, hi0))
    t = lax.bitcast_convert_type(lo, jnp.float32)

    gt = bits > lo
    s = jnp.sum(jnp.where(gt, x, 0.0), axis=1, keepdims=True)
    c = jnp.sum(gt.astype(jnp.float32), axis=1, keepdims=True)
    tot = jnp.sum(jnp.maximum(x, 0.0), axis=1, keepdims=True)
    topk = s + t * (k - c)
    row = topk * (1.0 / k) - (tot - topk) * (1.0 / (n - k))
    o_ref[...] = jnp.sum(row).reshape(1, 1)


def _fin_body(p_ref, q_ref, o_ref):
    o_ref[...] = ((jnp.sum(p_ref[...]) + q_ref[0, 0]) * (1.0 / _ROWS)).reshape(1, 1)


def _fin_sc_only_body(p_ref, o_ref):
    o_ref[...] = (jnp.sum(p_ref[...]) * (1.0 / _ROWS)).reshape(1, 1)


def kernel(input):
    sc_part = _sc_call(_sc_body)(input)
    if _SC_ROWS == _ROWS:
        out = pl.pallas_call(
            _fin_sc_only_body,
            out_shape=jax.ShapeDtypeStruct((1, 1), jnp.float32),
        )(sc_part)
        return out[0, 0]
    tc_part = pl.pallas_call(
        _tc_rows_body,
        grid=(1,),
        in_specs=[pl.BlockSpec((_ROWS - _SC_ROWS, _N), lambda i: (1, 0))],
        out_specs=pl.BlockSpec((1, 1), lambda i: (0, 0)),
        out_shape=jax.ShapeDtypeStruct((1, 1), jnp.float32),
    )(input)
    out = pl.pallas_call(
        _fin_body,
        out_shape=jax.ShapeDtypeStruct((1, 1), jnp.float32),
    )(sc_part, tc_part)
    return out[0, 0]

# --- scband reference (transcript-rebuilt; emitter-appended) ---
"""Pipeline reference for scband-ha-hcost-43353399886066 (READ-ONLY COPY).

The authoritative reference and input builder live on the scoring server;
editing this copy changes nothing except your own understanding.
"""

import jax, jax.numpy as jnp
import numpy as np
import math

RATIO = 0.1
DEMOTE = 1.0

def setup_inputs(seed: int = 0) -> dict:
    key = jax.random.key(seed)
    x = jax.random.normal(key, (64, 32768), dtype=jnp.float32)
    return {"input": x}

def reference(input) -> jnp.ndarray:
    # HaHCost forward: relu -> descending sort along dim=1 -> top-K mean minus demote * bottom mean -> mean reduction
    N = input.shape[1]
    K = math.ceil(RATIO * N)
    o = jnp.maximum(input, 0.0)
    # descending sort along axis 1
    o = -jnp.sort(-o, axis=1)
    top_K_avg = jnp.mean(o[:, :K], axis=1)
    bottom_avg = jnp.mean(o[:, K:], axis=1)
    return jnp.mean(top_K_avg - DEMOTE * bottom_avg)

if __name__ == "__main__":
    import jax
    _d = setup_inputs()
    print(jax.jit(kernel)(*tuple(_d.values())))

</pallas_src>

<mosaic_0001>
#map = affine_map<(d0, d1) -> (0, 0)>
module attributes {stable_mosaic.version = 14 : i64} {
  func.func @_sc_body(%arg0: i32, %arg1: i32, %arg2: memref<64x32768xf32, #tpu.memory_space<hbm>>, %arg3: memref<32x16xf32, #tpu.memory_space<hbm>>, %arg4: memref<1x32768xf32, #tpu.memory_space<vmem>>, %arg5: memref<16xf32, #tpu.memory_space<vmem>>, %arg6: memref<4096xf32, #tpu.memory_space<vmem>>, %arg7: memref<256xf32, #tpu.memory_space<vmem>>, %arg8: memref<256xf32, #tpu.memory_space<vmem>>) attributes {dimension_semantics = [#tpu.dimension_semantics<core_parallel>, #tpu.dimension_semantics<subcore_parallel>], iteration_bounds = array<i64: 2, 16>, scalar_prefetch = 0 : i64, scratch_operands = 5 : i64, tpu.core_type = #tpu.core_type<sc_vector_subcore>, window_params = [{transform_indices = #map}, {transform_indices = #map}]} {
    %mul3A = arith.constant 2 : i32
    %mul3A_0 = arith.muli %arg1, %mul3A : i32
    %add3A = arith.addi %mul3A_0, %arg0 : i32
    %mul3A_1 = arith.constant 1 : i32
    %mul3A_2 = arith.muli %add3A, %mul3A_1 : i32
    "tpu.region"() ({
      %run_scoped3A = tpu.sem_alloc : memref<!tpu.dma_semaphore, #tpu.memory_space<semaphore_mem>>
      %dma_start3A = arith.constant 0 : i32
      %dma_start3A_176 = tpu.memref_slice %arg2[%mul3A_2, %dma_start3A] : memref<64x32768xf32, #tpu.memory_space<hbm>> -> memref<1x32768xf32, #tpu.memory_space<hbm>>
      %dma_start3A_177 = arith.constant 0 : i32
      %dma_start3A_178 = tpu.memref_slice %arg2[%mul3A_2, %dma_start3A_177] : memref<64x32768xf32, #tpu.memory_space<hbm>> -> memref<1x32768xf32, #tpu.memory_space<hbm>>
      tpu.enqueue_dma source(%dma_start3A_178 : memref<1x32768xf32, #tpu.memory_space<hbm>>) target(%arg4 : memref<1x32768xf32, #tpu.memory_space<vmem>>) target_semaphore(%run_scoped3A : memref<!tpu.dma_semaphore, #tpu.memory_space<semaphore_mem>>)
      %dma_wait3A = arith.constant 0 : i32
      %dma_wait3A_179 = tpu.memref_slice %arg2[%mul3A_2, %dma_wait3A] : memref<64x32768xf32, #tpu.memory_space<hbm>> -> memref<1x32768xf32, #tpu.memory_space<hbm>>
      %dma_wait3A_180 = arith.constant 0 : i32
      %dma_wait3A_181 = tpu.memref_slice %arg2[%mul3A_2, %dma_wait3A_180] : memref<64x32768xf32, #tpu.memory_space<hbm>> -> memref<1x32768xf32, #tpu.memory_space<hbm>>
      tpu.wait_dma2 semaphore(%run_scoped3A : memref<!tpu.dma_semaphore, #tpu.memory_space<semaphore_mem>>) src(%dma_wait3A_181 : memref<1x32768xf32, #tpu.memory_space<hbm>>) dst(%arg4 : memref<1x32768xf32, #tpu.memory_space<vmem>>)
      tpu.yield
    }) : () -> ()
    %broadcast_in_dim3A = arith.constant 0.000000e+00 : f32
    %broadcast_in_dim3A_3 = vector.broadcast %broadcast_in_dim3A : f32 to vector<16xf32>
    %iota3A = tpu.iota {dimensions = array<i32: 0>} : vector<16xi32>
    %broadcast_in_dim3A_4 = arith.constant 1.000000e+00 : f32
    %broadcast_in_dim3A_5 = vector.broadcast %broadcast_in_dim3A_4 : f32 to vector<16xf32>
    %broadcast_in_dim3A_6 = arith.constant 0.000000e+00 : f32
    %broadcast_in_dim3A_7 = vector.broadcast %broadcast_in_dim3A_6 : f32 to vector<16xf32>
    %parallel_loop3A = arith.constant 0 : i32
    %parallel_loop3A_8 = arith.constant 4096 : i32
    %parallel_loop3A_9 = arith.constant 16 : i32
    %parallel_loop3A_10 = arith.constant 0 : i32
    %parallel_loop3A_11 = scf.for %parallel_loop3A_176 = %parallel_loop3A to %parallel_loop3A_8 step %parallel_loop3A_9 iter_args(%parallel_loop3A_177 = %parallel_loop3A_10) -> (i32)  : i32 {
      %parallel_loop3A_178 = arith.index_cast %parallel_loop3A_176 : i32 to index
      %parallel_loop3A_179 = tpu.vector_load %arg6[%parallel_loop3A_178] {strides = array<i32>} : memref<4096xf32, #tpu.memory_space<vmem>>, vector<16xf32>,
      tpu.vector_store %arg6[%parallel_loop3A_178], %broadcast_in_dim3A_7 {strides = array<i32>} : memref<4096xf32, #tpu.memory_space<vmem>>, vector<16xf32>,
      scf.yield %parallel_loop3A_177 : i32
    } {sc.loop_unroll_factor = 8 : i64, sc.parallel_access}
    %parallel_loop3A_12 = arith.constant 0 : i32
    %parallel_loop3A_13 = arith.constant 32768 : i32
    %parallel_loop3A_14 = arith.constant 16 : i32
    %parallel_loop3A_15 = scf.for %parallel_loop3A_176 = %parallel_loop3A_12 to %parallel_loop3A_13 step %parallel_loop3A_14 iter_args(%parallel_loop3A_177 = %broadcast_in_dim3A_7) -> (vector<16xf32>)  : i32 {
      %parallel_loop3A_178 = arith.constant 0 : i32
      %parallel_loop3A_179 = arith.index_cast %parallel_loop3A_178 : i32 to index
      %parallel_loop3A_180 = arith.index_cast %parallel_loop3A_176 : i32 to index
      %parallel_loop3A_181 = tpu.vector_load %arg4[%parallel_loop3A_179, %parallel_loop3A_180] {strides = array<i32>} : memref<1x32768xf32, #tpu.memory_space<vmem>>, vector<16xf32>,
      %parallel_loop3A_182 = arith.constant 0.000000e+00 : f32
      %parallel_loop3A_183 = vector.broadcast %parallel_loop3A_182 : f32 to vector<16xf32>
      %parallel_loop3A_184 = arith.maximumf %parallel_loop3A_181, %parallel_loop3A_183 : vector<16xf32>
      %parallel_loop3A_185 = vector.bitcast %parallel_loop3A_184 : vector<16xf32> to vector<16xi32>
      %parallel_loop3A_186 = arith.constant 23 : i32
      %parallel_loop3A_187 = vector.broadcast %parallel_loop3A_186 : i32 to vector<16xi32>
      %parallel_loop3A_188 = arith.shrsi %parallel_loop3A_185, %parallel_loop3A_187 : vector<16xi32>
      %parallel_loop3A_189 = arith.constant 4 : i32
      %parallel_loop3A_190 = vector.broadcast %parallel_loop3A_189 : i32 to vector<16xi32>
      %parallel_loop3A_191 = arith.shli %parallel_loop3A_188, %parallel_loop3A_190 : vector<16xi32>
      %parallel_loop3A_192 = arith.ori %parallel_loop3A_191, %iota3A : vector<16xi32>
      tpu.vector_store_idx %arg6[%parallel_loop3A_192], %broadcast_in_dim3A_5 {add = true} : memref<4096xf32, #tpu.memory_space<vmem>>[vector<16xi32>], vector<16xf32>,
      %parallel_loop3A_193 = arith.addf %parallel_loop3A_177, %parallel_loop3A_184 : vector<16xf32>
      scf.yield %parallel_loop3A_193 : vector<16xf32>
    } {sc.loop_unroll_factor = 8 : i64, sc.parallel_access}
    %parallel_loop3A_16 = arith.constant 0 : i32
    %parallel_loop3A_17 = arith.constant 256 : i32
    %parallel_loop3A_18 = arith.constant 1 : i32
    %parallel_loop3A_19 = arith.constant 0 : i32
    %parallel_loop3A_20 = scf.for %parallel_loop3A_176 = %parallel_loop3A_16 to %parallel_loop3A_17 step %parallel_loop3A_18 iter_args(%parallel_loop3A_177 = %parallel_loop3A_19) -> (i32)  : i32 {
      %parallel_loop3A_178 = arith.constant 16 : i32
      %parallel_loop3A_179 = arith.muli %parallel_loop3A_176, %parallel_loop3A_178 : i32
      %parallel_loop3A_180 = arith.index_cast %parallel_loop3A_179 : i32 to index
      %parallel_loop3A_181 = tpu.vector_load %arg6[%parallel_loop3A_180] {strides = array<i32>} : memref<4096xf32, #tpu.memory_space<vmem>>, vector<16xf32>,
      %parallel_loop3A_182 = arith.constant true
      %parallel_loop3A_183 = vector.broadcast %parallel_loop3A_182 : i1 to vector<16xi1>
      %parallel_loop3A_184 = tpu.scan <sum>, %parallel_loop3A_181 masked %parallel_loop3A_183 : vector<16xf32>, vector<16xi1> -> vector<16xf32>
      %parallel_loop3A_185 = vector.broadcast %parallel_loop3A_176 : i32 to vector<16xi32>
      %parallel_loop3A_186 = arith.constant 15 : i32
      %parallel_loop3A_187 = vector.broadcast %parallel_loop3A_186 : i32 to vector<16xi32>
      %parallel_loop3A_188 = arith.cmpi eq, %iota3A, %parallel_loop3A_187 : vector<16xi32>
      tpu.vector_store_idx %arg7[%parallel_loop3A_185], %parallel_loop3A_184 masked %parallel_loop3A_188 : memref<256xf32, #tpu.memory_space<vmem>>[vector<16xi32>], vector<16xf32>, vector<16xi1>
      %parallel_loop3A_189 = arith.constant 16 : i32
      %parallel_loop3A_190 = arith.muli %parallel_loop3A_176, %parallel_loop3A_189 : i32
      %parallel_loop3A_191 = arith.index_cast %parallel_loop3A_190 : i32 to index
      %parallel_loop3A_192 = tpu.vector_load %arg6[%parallel_loop3A_191] {strides = array<i32>} : memref<4096xf32, #tpu.memory_space<vmem>>, vector<16xf32>,
      tpu.vector_store %arg6[%parallel_loop3A_191], %broadcast_in_dim3A_7 {strides = array<i32>} : memref<4096xf32, #tpu.memory_space<vmem>>, vector<16xf32>,
      scf.yield %parallel_loop3A_177 : i32
    } {sc.loop_unroll_factor = 4 : i64, sc.parallel_access}
    %broadcast_in_dim3A_21 = arith.constant 0 : i32
    %broadcast_in_dim3A_22 = vector.broadcast %broadcast_in_dim3A_21 : i32 to vector<16xi32>
    %scan3A = arith.constant 3.277000e+03 : f32
    %scan3A_23 = arith.constant 0.000000e+00 : f32
    %scan3A_24 = arith.constant 0 : i32
    %scan3A_25 = arith.constant 16 : i32
    %scan3A_26 = arith.addi %scan3A_24, %scan3A_25 : i32
    %scan3A_27 = arith.constant 1 : i32
    %scan3A_28:2 = scf.for %scan3A_176 = %scan3A_24 to %scan3A_26 step %scan3A_27 iter_args(%scan3A_177 = %scan3A_23, %scan3A_178 = %broadcast_in_dim3A_22) -> (f32, vector<16xi32>)  : i32 {
      %sub3A_179 = arith.constant 15 : i32
      %sub3A_180 = arith.subi %sub3A_179, %scan3A_176 : i32
      %mul3A_181 = arith.constant 16 : i32
      %mul3A_182 = arith.muli %sub3A_180, %mul3A_181 : i32
      %get3A = arith.index_cast %mul3A_182 : i32 to index
      %get3A_183 = tpu.vector_load %arg7[%get3A] {strides = array<i32>} : memref<256xf32, #tpu.memory_space<vmem>>, vector<16xf32>,
      %broadcast_in_dim3A_184 = arith.constant true
      %broadcast_in_dim3A_185 = vector.broadcast %broadcast_in_dim3A_184 : i1 to vector<16xi1>
      %masked_cumsum3A = tpu.scan <sum>, %get3A_183 masked %broadcast_in_dim3A_185 : vector<16xf32>, vector<16xi1> -> vector<16xf32>
      %slice3A_186 = vector.extract_strided_slice %masked_cumsum3A {offsets = [15], sizes = [1], strides = [1]} : vector<16xf32> to vector<1xf32>
      %squeeze3A_187 = vector.extract %slice3A_186[0] : f32 from vector<1xf32>
      %sub3A_188 = vector.broadcast %squeeze3A_187 : f32 to vector<16xf32>
      %sub3A_189 = arith.subf %sub3A_188, %masked_cumsum3A : vector<16xf32>
      %add3A_190 = vector.broadcast %scan3A_177 : f32 to vector<16xf32>
      %add3A_191 = arith.addf %sub3A_189, %add3A_190 : vector<16xf32>
      %mul3A_192 = arith.constant 16 : i32
      %mul3A_193 = arith.muli %sub3A_180, %mul3A_192 : i32
      %swap3A_194 = arith.index_cast %mul3A_193 : i32 to index
      %swap3A_195 = tpu.vector_load %arg8[%swap3A_194] {strides = array<i32>} : memref<256xf32, #tpu.memory_space<vmem>>, vector<16xf32>,
      tpu.vector_store %arg8[%swap3A_194], %add3A_191 {strides = array<i32>} : memref<256xf32, #tpu.memory_space<vmem>>, vector<16xf32>,
      %add3A_196 = arith.addf %add3A_191, %get3A_183 : vector<16xf32>
      %ge3A = vector.broadcast %scan3A : f32 to vector<16xf32>
      %ge3A_197 = arith.cmpf oge, %add3A_196, %ge3A : vector<16xf32>
      %jit3A_198 = arith.constant 1 : i32
      %jit3A_199 = arith.constant 0 : i32
      %broadcast_in_dim3A_200 = vector.broadcast %jit3A_198 : i32 to vector<16xi32>
      %broadcast_in_dim3A_201 = vector.broadcast %jit3A_199 : i32 to vector<16xi32>
      %select_n3A_202 = arith.select %ge3A_197, %broadcast_in_dim3A_200, %broadcast_in_dim3A_201 : vector<16xi1>, vector<16xi32>
      %add3A_203 = arith.addi %scan3A_178, %select_n3A_202 : vector<16xi32>
      %add3A_204 = arith.addf %scan3A_177, %squeeze3A_187 : f32
      scf.yield %add3A_204, %add3A_203 : f32, vector<16xi32>
    }
    %scan3A_29 = arith.constant 16 : i32
    %reduce_sum3A = arith.constant true
    %reduce_sum3A_30 = vector.broadcast %reduce_sum3A : i1 to vector<16xi1>
    %reduce_sum3A_31 = tpu.scan <sum>, %scan3A_28#1 masked %reduce_sum3A_30 : vector<16xi32>, vector<16xi1> -> vector<16xi32>
    %reduce_sum3A_32 = vector.extract %reduce_sum3A_31[15] : i32 from vector<16xi32>
    %sub3A = arith.constant 1 : i32
    %sub3A_33 = arith.subi %reduce_sum3A_32, %sub3A : i32
    %broadcast_in_dim3A_34 = vector.broadcast %sub3A_33 : i32 to vector<16xi32>
    %gather3A = tpu.vector_load_idx %arg8[%broadcast_in_dim3A_34] : memref<256xf32, #tpu.memory_space<vmem>>[vector<16xi32>], vector<16xf32>,
    %slice3A = vector.extract_strided_slice %gather3A {offsets = [0], sizes = [1], strides = [1]} : vector<16xf32> to vector<1xf32>
    %squeeze3A = vector.extract %slice3A[0] : f32 from vector<1xf32>
    %sub3A_35 = arith.constant 3.277000e+03 : f32
    %sub3A_36 = arith.subf %sub3A_35, %squeeze3A : f32
    %shift_left3A = arith.constant 0 : i32
    %shift_left3A_37 = arith.constant 8 : i32
    %shift_left3A_38 = arith.shli %shift_left3A, %shift_left3A_37 : i32
    %or3A = arith.ori %shift_left3A_38, %sub3A_33 : i32
    %broadcast_in_dim3A_39 = vector.broadcast %or3A : i32 to vector<16xi32>
    %parallel_loop3A_40 = arith.constant 0 : i32
    %parallel_loop3A_41 = arith.constant 32768 : i32
    %parallel_loop3A_42 = arith.constant 16 : i32
    %parallel_loop3A_43 = arith.constant 0 : i32
    %parallel_loop3A_44 = scf.for %parallel_loop3A_176 = %parallel_loop3A_40 to %parallel_loop3A_41 step %parallel_loop3A_42 iter_args(%parallel_loop3A_177 = %parallel_loop3A_43) -> (i32)  : i32 {
      %parallel_loop3A_178 = arith.constant 0 : i32
      %parallel_loop3A_179 = arith.index_cast %parallel_loop3A_178 : i32 to index
      %parallel_loop3A_180 = arith.index_cast %parallel_loop3A_176 : i32 to index
      %parallel_loop3A_181 = tpu.vector_load %arg4[%parallel_loop3A_179, %parallel_loop3A_180] {strides = array<i32>} : memref<1x32768xf32, #tpu.memory_space<vmem>>, vector<16xf32>,
      %parallel_loop3A_182 = vector.bitcast %parallel_loop3A_181 : vector<16xf32> to vector<16xi32>
      %parallel_loop3A_183 = arith.constant 15 : i32
      %parallel_loop3A_184 = vector.broadcast %parallel_loop3A_183 : i32 to vector<16xi32>
      %parallel_loop3A_185 = arith.shrsi %parallel_loop3A_182, %parallel_loop3A_184 : vector<16xi32>
      %parallel_loop3A_186 = arith.constant 255 : i32
      %parallel_loop3A_187 = vector.broadcast %parallel_loop3A_186 : i32 to vector<16xi32>
      %parallel_loop3A_188 = arith.andi %parallel_loop3A_185, %parallel_loop3A_187 : vector<16xi32>
      %parallel_loop3A_189 = arith.constant 23 : i32
      %parallel_loop3A_190 = vector.broadcast %parallel_loop3A_189 : i32 to vector<16xi32>
      %parallel_loop3A_191 = arith.shrsi %parallel_loop3A_182, %parallel_loop3A_190 : vector<16xi32>
      %parallel_loop3A_192 = arith.cmpi eq, %parallel_loop3A_191, %broadcast_in_dim3A_39 : vector<16xi32>
      %parallel_loop3A_193 = arith.constant 4 : i32
      %parallel_loop3A_194 = vector.broadcast %parallel_loop3A_193 : i32 to vector<16xi32>
      %parallel_loop3A_195 = arith.shli %parallel_loop3A_188, %parallel_loop3A_194 : vector<16xi32>
      %parallel_loop3A_196 = arith.ori %parallel_loop3A_195, %iota3A : vector<16xi32>
      tpu.vector_store_idx %arg6[%parallel_loop3A_196], %broadcast_in_dim3A_5 masked %parallel_loop3A_192 {add = true} : memref<4096xf32, #tpu.memory_space<vmem>>[vector<16xi32>], vector<16xf32>, vector<16xi1>
      scf.yield %parallel_loop3A_177 : i32
    } {sc.loop_unroll_factor = 8 : i64, sc.parallel_access}
    %parallel_loop3A_45 = arith.constant 0 : i32
    %parallel_loop3A_46 = arith.constant 256 : i32
    %parallel_loop3A_47 = arith.constant 1 : i32
    %parallel_loop3A_48 = arith.constant 0 : i32
    %parallel_loop3A_49 = scf.for %parallel_loop3A_176 = %parallel_loop3A_45 to %parallel_loop3A_46 step %parallel_loop3A_47 iter_args(%parallel_loop3A_177 = %parallel_loop3A_48) -> (i32)  : i32 {
      %parallel_loop3A_178 = arith.constant 16 : i32
      %parallel_loop3A_179 = arith.muli %parallel_loop3A_176, %parallel_loop3A_178 : i32
      %parallel_loop3A_180 = arith.index_cast %parallel_loop3A_179 : i32 to index
      %parallel_loop3A_181 = tpu.vector_load %arg6[%parallel_loop3A_180] {strides = array<i32>} : memref<4096xf32, #tpu.memory_space<vmem>>, vector<16xf32>,
      %parallel_loop3A_182 = arith.constant true
      %parallel_loop3A_183 = vector.broadcast %parallel_loop3A_182 : i1 to vector<16xi1>
      %parallel_loop3A_184 = tpu.scan <sum>, %parallel_loop3A_181 masked %parallel_loop3A_183 : vector<16xf32>, vector<16xi1> -> vector<16xf32>
      %parallel_loop3A_185 = vector.broadcast %parallel_loop3A_176 : i32 to vector<16xi32>
      %parallel_loop3A_186 = arith.constant 15 : i32
      %parallel_loop3A_187 = vector.broadcast %parallel_loop3A_186 : i32 to vector<16xi32>
      %parallel_loop3A_188 = arith.cmpi eq, %iota3A, %parallel_loop3A_187 : vector<16xi32>
      tpu.vector_store_idx %arg7[%parallel_loop3A_185], %parallel_loop3A_184 masked %parallel_loop3A_188 : memref<256xf32, #tpu.memory_space<vmem>>[vector<16xi32>], vector<16xf32>, vector<16xi1>
      %parallel_loop3A_189 = arith.constant 16 : i32
      %parallel_loop3A_190 = arith.muli %parallel_loop3A_176, %parallel_loop3A_189 : i32
      %parallel_loop3A_191 = arith.index_cast %parallel_loop3A_190 : i32 to index
      %parallel_loop3A_192 = tpu.vector_load %arg6[%parallel_loop3A_191] {strides = array<i32>} : memref<4096xf32, #tpu.memory_space<vmem>>, vector<16xf32>,
      tpu.vector_store %arg6[%parallel_loop3A_191], %broadcast_in_dim3A_7 {strides = array<i32>} : memref<4096xf32, #tpu.memory_space<vmem>>, vector<16xf32>,
      scf.yield %parallel_loop3A_177 : i32
    } {sc.loop_unroll_factor = 4 : i64, sc.parallel_access}
    %broadcast_in_dim3A_50 = arith.constant 0 : i32
    %broadcast_in_dim3A_51 = vector.broadcast %broadcast_in_dim3A_50 : i32 to vector<16xi32>
    %scan3A_52 = arith.constant 0.000000e+00 : f32
    %scan3A_53 = arith.constant 0 : i32
    %scan3A_54 = arith.constant 16 : i32
    %scan3A_55 = arith.addi %scan3A_53, %scan3A_54 : i32
    %scan3A_56 = arith.constant 1 : i32
    %scan3A_57:2 = scf.for %scan3A_176 = %scan3A_53 to %scan3A_55 step %scan3A_56 iter_args(%scan3A_177 = %scan3A_52, %scan3A_178 = %broadcast_in_dim3A_51) -> (f32, vector<16xi32>)  : i32 {
      %sub3A_179 = arith.constant 15 : i32
      %sub3A_180 = arith.subi %sub3A_179, %scan3A_176 : i32
      %mul3A_181 = arith.constant 16 : i32
      %mul3A_182 = arith.muli %sub3A_180, %mul3A_181 : i32
      %get3A = arith.index_cast %mul3A_182 : i32 to index
      %get3A_183 = tpu.vector_load %arg7[%get3A] {strides = array<i32>} : memref<256xf32, #tpu.memory_space<vmem>>, vector<16xf32>,
      %broadcast_in_dim3A_184 = arith.constant true
      %broadcast_in_dim3A_185 = vector.broadcast %broadcast_in_dim3A_184 : i1 to vector<16xi1>
      %masked_cumsum3A = tpu.scan <sum>, %get3A_183 masked %broadcast_in_dim3A_185 : vector<16xf32>, vector<16xi1> -> vector<16xf32>
      %slice3A_186 = vector.extract_strided_slice %masked_cumsum3A {offsets = [15], sizes = [1], strides = [1]} : vector<16xf32> to vector<1xf32>
      %squeeze3A_187 = vector.extract %slice3A_186[0] : f32 from vector<1xf32>
      %sub3A_188 = vector.broadcast %squeeze3A_187 : f32 to vector<16xf32>
      %sub3A_189 = arith.subf %sub3A_188, %masked_cumsum3A : vector<16xf32>
      %add3A_190 = vector.broadcast %scan3A_177 : f32 to vector<16xf32>
      %add3A_191 = arith.addf %sub3A_189, %add3A_190 : vector<16xf32>
      %mul3A_192 = arith.constant 16 : i32
      %mul3A_193 = arith.muli %sub3A_180, %mul3A_192 : i32
      %swap3A_194 = arith.index_cast %mul3A_193 : i32 to index
      %swap3A_195 = tpu.vector_load %arg8[%swap3A_194] {strides = array<i32>} : memref<256xf32, #tpu.memory_space<vmem>>, vector<16xf32>,
      tpu.vector_store %arg8[%swap3A_194], %add3A_191 {strides = array<i32>} : memref<256xf32, #tpu.memory_space<vmem>>, vector<16xf32>,
      %add3A_196 = arith.addf %add3A_191, %get3A_183 : vector<16xf32>
      %ge3A = vector.broadcast %sub3A_36 : f32 to vector<16xf32>
      %ge3A_197 = arith.cmpf oge, %add3A_196, %ge3A : vector<16xf32>
      %jit3A_198 = arith.constant 1 : i32
      %jit3A_199 = arith.constant 0 : i32
      %broadcast_in_dim3A_200 = vector.broadcast %jit3A_198 : i32 to vector<16xi32>
      %broadcast_in_dim3A_201 = vector.broadcast %jit3A_199 : i32 to vector<16xi32>
      %select_n3A_202 = arith.select %ge3A_197, %broadcast_in_dim3A_200, %broadcast_in_dim3A_201 : vector<16xi1>, vector<16xi32>
      %add3A_203 = arith.addi %scan3A_178, %select_n3A_202 : vector<16xi32>
      %add3A_204 = arith.addf %scan3A_177, %squeeze3A_187 : f32
      scf.yield %add3A_204, %add3A_203 : f32, vector<16xi32>
    }
    %scan3A_58 = arith.constant 16 : i32
    %reduce_sum3A_59 = arith.constant true
    %reduce_sum3A_60 = vector.broadcast %reduce_sum3A_59 : i1 to vector<16xi1>
    %reduce_sum3A_61 = tpu.scan <sum>, %scan3A_57#1 masked %reduce_sum3A_60 : vector<16xi32>, vector<16xi1> -> vector<16xi32>
    %reduce_sum3A_62 = vector.extract %reduce_sum3A_61[15] : i32 from vector<16xi32>
    %sub3A_63 = arith.constant 1 : i32
    %sub3A_64 = arith.subi %reduce_sum3A_62, %sub3A_63 : i32
    %broadcast_in_dim3A_65 = vector.broadcast %sub3A_64 : i32 to vector<16xi32>
    %gather3A_66 = tpu.vector_load_idx %arg8[%broadcast_in_dim3A_65] : memref<256xf32, #tpu.memory_space<vmem>>[vector<16xi32>], vector<16xf32>,
    %slice3A_67 = vector.extract_strided_slice %gather3A_66 {offsets = [0], sizes = [1], strides = [1]} : vector<16xf32> to vector<1xf32>
    %squeeze3A_68 = vector.extract %slice3A_67[0] : f32 from vector<1xf32>
    %sub3A_69 = arith.subf %sub3A_36, %squeeze3A_68 : f32
    %shift_left3A_70 = arith.constant 8 : i32
    %shift_left3A_71 = arith.shli %or3A, %shift_left3A_70 : i32
    %or3A_72 = arith.ori %shift_left3A_71, %sub3A_64 : i32
    %broadcast_in_dim3A_73 = vector.broadcast %or3A_72 : i32 to vector<16xi32>
    %parallel_loop3A_74 = arith.constant 0 : i32
    %parallel_loop3A_75 = arith.constant 32768 : i32
    %parallel_loop3A_76 = arith.constant 16 : i32
    %parallel_loop3A_77 = arith.constant 0 : i32
    %parallel_loop3A_78 = scf.for %parallel_loop3A_176 = %parallel_loop3A_74 to %parallel_loop3A_75 step %parallel_loop3A_76 iter_args(%parallel_loop3A_177 = %parallel_loop3A_77) -> (i32)  : i32 {
      %parallel_loop3A_178 = arith.constant 0 : i32
      %parallel_loop3A_179 = arith.index_cast %parallel_loop3A_178 : i32 to index
      %parallel_loop3A_180 = arith.index_cast %parallel_loop3A_176 : i32 to index
      %parallel_loop3A_181 = tpu.vector_load %arg4[%parallel_loop3A_179, %parallel_loop3A_180] {strides = array<i32>} : memref<1x32768xf32, #tpu.memory_space<vmem>>, vector<16xf32>,
      %parallel_loop3A_182 = vector.bitcast %parallel_loop3A_181 : vector<16xf32> to vector<16xi32>
      %parallel_loop3A_183 = arith.constant 7 : i32
      %parallel_loop3A_184 = vector.broadcast %parallel_loop3A_183 : i32 to vector<16xi32>
      %parallel_loop3A_185 = arith.shrsi %parallel_loop3A_182, %parallel_loop3A_184 : vector<16xi32>
      %parallel_loop3A_186 = arith.constant 255 : i32
      %parallel_loop3A_187 = vector.broadcast %parallel_loop3A_186 : i32 to vector<16xi32>
      %parallel_loop3A_188 = arith.andi %parallel_loop3A_185, %parallel_loop3A_187 : vector<16xi32>
      %parallel_loop3A_189 = arith.constant 15 : i32
      %parallel_loop3A_190 = vector.broadcast %parallel_loop3A_189 : i32 to vector<16xi32>
      %parallel_loop3A_191 = arith.shrsi %parallel_loop3A_182, %parallel_loop3A_190 : vector<16xi32>
      %parallel_loop3A_192 = arith.cmpi eq, %parallel_loop3A_191, %broadcast_in_dim3A_73 : vector<16xi32>
      %parallel_loop3A_193 = arith.constant 4 : i32
      %parallel_loop3A_194 = vector.broadcast %parallel_loop3A_193 : i32 to vector<16xi32>
      %parallel_loop3A_195 = arith.shli %parallel_loop3A_188, %parallel_loop3A_194 : vector<16xi32>
      %parallel_loop3A_196 = arith.ori %parallel_loop3A_195, %iota3A : vector<16xi32>
      tpu.vector_store_idx %arg6[%parallel_loop3A_196], %broadcast_in_dim3A_5 masked %parallel_loop3A_192 {add = true} : memref<4096xf32, #tpu.memory_space<vmem>>[vector<16xi32>], vector<16xf32>, vector<16xi1>
      scf.yield %parallel_loop3A_177 : i32
    } {sc.loop_unroll_factor = 8 : i64, sc.parallel_access}
    %parallel_loop3A_79 = arith.constant 0 : i32
    %parallel_loop3A_80 = arith.constant 256 : i32
    %parallel_loop3A_81 = arith.constant 1 : i32
    %parallel_loop3A_82 = arith.constant 0 : i32
    %parallel_loop3A_83 = scf.for %parallel_loop3A_176 = %parallel_loop3A_79 to %parallel_loop3A_80 step %parallel_loop3A_81 iter_args(%parallel_loop3A_177 = %parallel_loop3A_82) -> (i32)  : i32 {
      %parallel_loop3A_178 = arith.constant 16 : i32
      %parallel_loop3A_179 = arith.muli %parallel_loop3A_176, %parallel_loop3A_178 : i32
      %parallel_loop3A_180 = arith.index_cast %parallel_loop3A_179 : i32 to index
      %parallel_loop3A_181 = tpu.vector_load %arg6[%parallel_loop3A_180] {strides = array<i32>} : memref<4096xf32, #tpu.memory_space<vmem>>, vector<16xf32>,
      %parallel_loop3A_182 = arith.constant true
      %parallel_loop3A_183 = vector.broadcast %parallel_loop3A_182 : i1 to vector<16xi1>
      %parallel_loop3A_184 = tpu.scan <sum>, %parallel_loop3A_181 masked %parallel_loop3A_183 : vector<16xf32>, vector<16xi1> -> vector<16xf32>
      %parallel_loop3A_185 = vector.broadcast %parallel_loop3A_176 : i32 to vector<16xi32>
      %parallel_loop3A_186 = arith.constant 15 : i32
      %parallel_loop3A_187 = vector.broadcast %parallel_loop3A_186 : i32 to vector<16xi32>
      %parallel_loop3A_188 = arith.cmpi eq, %iota3A, %parallel_loop3A_187 : vector<16xi32>
      tpu.vector_store_idx %arg7[%parallel_loop3A_185], %parallel_loop3A_184 masked %parallel_loop3A_188 : memref<256xf32, #tpu.memory_space<vmem>>[vector<16xi32>], vector<16xf32>, vector<16xi1>
      %parallel_loop3A_189 = arith.constant 16 : i32
      %parallel_loop3A_190 = arith.muli %parallel_loop3A_176, %parallel_loop3A_189 : i32
      %parallel_loop3A_191 = arith.index_cast %parallel_loop3A_190 : i32 to index
      %parallel_loop3A_192 = tpu.vector_load %arg6[%parallel_loop3A_191] {strides = array<i32>} : memref<4096xf32, #tpu.memory_space<vmem>>, vector<16xf32>,
      tpu.vector_store %arg6[%parallel_loop3A_191], %broadcast_in_dim3A_7 {strides = array<i32>} : memref<4096xf32, #tpu.memory_space<vmem>>, vector<16xf32>,
      scf.yield %parallel_loop3A_177 : i32
    } {sc.loop_unroll_factor = 4 : i64, sc.parallel_access}
    %broadcast_in_dim3A_84 = arith.constant 0 : i32
    %broadcast_in_dim3A_85 = vector.broadcast %broadcast_in_dim3A_84 : i32 to vector<16xi32>
    %scan3A_86 = arith.constant 0.000000e+00 : f32
    %scan3A_87 = arith.constant 0 : i32
    %scan3A_88 = arith.constant 16 : i32
    %scan3A_89 = arith.addi %scan3A_87, %scan3A_88 : i32
    %scan3A_90 = arith.constant 1 : i32
    %scan3A_91:2 = scf.for %scan3A_176 = %scan3A_87 to %scan3A_89 step %scan3A_90 iter_args(%scan3A_177 = %scan3A_86, %scan3A_178 = %broadcast_in_dim3A_85) -> (f32, vector<16xi32>)  : i32 {
      %sub3A_179 = arith.constant 15 : i32
      %sub3A_180 = arith.subi %sub3A_179, %scan3A_176 : i32
      %mul3A_181 = arith.constant 16 : i32
      %mul3A_182 = arith.muli %sub3A_180, %mul3A_181 : i32
      %get3A = arith.index_cast %mul3A_182 : i32 to index
      %get3A_183 = tpu.vector_load %arg7[%get3A] {strides = array<i32>} : memref<256xf32, #tpu.memory_space<vmem>>, vector<16xf32>,
      %broadcast_in_dim3A_184 = arith.constant true
      %broadcast_in_dim3A_185 = vector.broadcast %broadcast_in_dim3A_184 : i1 to vector<16xi1>
      %masked_cumsum3A = tpu.scan <sum>, %get3A_183 masked %broadcast_in_dim3A_185 : vector<16xf32>, vector<16xi1> -> vector<16xf32>
      %slice3A_186 = vector.extract_strided_slice %masked_cumsum3A {offsets = [15], sizes = [1], strides = [1]} : vector<16xf32> to vector<1xf32>
      %squeeze3A_187 = vector.extract %slice3A_186[0] : f32 from vector<1xf32>
      %sub3A_188 = vector.broadcast %squeeze3A_187 : f32 to vector<16xf32>
      %sub3A_189 = arith.subf %sub3A_188, %masked_cumsum3A : vector<16xf32>
      %add3A_190 = vector.broadcast %scan3A_177 : f32 to vector<16xf32>
      %add3A_191 = arith.addf %sub3A_189, %add3A_190 : vector<16xf32>
      %mul3A_192 = arith.constant 16 : i32
      %mul3A_193 = arith.muli %sub3A_180, %mul3A_192 : i32
      %swap3A_194 = arith.index_cast %mul3A_193 : i32 to index
      %swap3A_195 = tpu.vector_load %arg8[%swap3A_194] {strides = array<i32>} : memref<256xf32, #tpu.memory_space<vmem>>, vector<16xf32>,
      tpu.vector_store %arg8[%swap3A_194], %add3A_191 {strides = array<i32>} : memref<256xf32, #tpu.memory_space<vmem>>, vector<16xf32>,
      %add3A_196 = arith.addf %add3A_191, %get3A_183 : vector<16xf32>
      %ge3A = vector.broadcast %sub3A_69 : f32 to vector<16xf32>
      %ge3A_197 = arith.cmpf oge, %add3A_196, %ge3A : vector<16xf32>
      %jit3A_198 = arith.constant 1 : i32
      %jit3A_199 = arith.constant 0 : i32
      %broadcast_in_dim3A_200 = vector.broadcast %jit3A_198 : i32 to vector<16xi32>
      %broadcast_in_dim3A_201 = vector.broadcast %jit3A_199 : i32 to vector<16xi32>
      %select_n3A_202 = arith.select %ge3A_197, %broadcast_in_dim3A_200, %broadcast_in_dim3A_201 : vector<16xi1>, vector<16xi32>
      %add3A_203 = arith.addi %scan3A_178, %select_n3A_202 : vector<16xi32>
      %add3A_204 = arith.addf %scan3A_177, %squeeze3A_187 : f32
      scf.yield %add3A_204, %add3A_203 : f32, vector<16xi32>
    }
    %scan3A_92 = arith.constant 16 : i32
    %reduce_sum3A_93 = arith.constant true
    %reduce_sum3A_94 = vector.broadcast %reduce_sum3A_93 : i1 to vector<16xi1>
    %reduce_sum3A_95 = tpu.scan <sum>, %scan3A_91#1 masked %reduce_sum3A_94 : vector<16xi32>, vector<16xi1> -> vector<16xi32>
    %reduce_sum3A_96 = vector.extract %reduce_sum3A_95[15] : i32 from vector<16xi32>
    %sub3A_97 = arith.constant 1 : i32
    %sub3A_98 = arith.subi %reduce_sum3A_96, %sub3A_97 : i32
    %broadcast_in_dim3A_99 = vector.broadcast %sub3A_98 : i32 to vector<16xi32>
    %gather3A_100 = tpu.vector_load_idx %arg8[%broadcast_in_dim3A_99] : memref<256xf32, #tpu.memory_space<vmem>>[vector<16xi32>], vector<16xf32>,
    %slice3A_101 = vector.extract_strided_slice %gather3A_100 {offsets = [0], sizes = [1], strides = [1]} : vector<16xf32> to vector<1xf32>
    %squeeze3A_102 = vector.extract %slice3A_101[0] : f32 from vector<1xf32>
    %sub3A_103 = arith.subf %sub3A_69, %squeeze3A_102 : f32
    %shift_left3A_104 = arith.constant 8 : i32
    %shift_left3A_105 = arith.shli %or3A_72, %shift_left3A_104 : i32
    %or3A_106 = arith.ori %shift_left3A_105, %sub3A_98 : i32
    %broadcast_in_dim3A_107 = vector.broadcast %or3A_106 : i32 to vector<16xi32>
    %parallel_loop3A_108 = arith.constant 0 : i32
    %parallel_loop3A_109 = arith.constant 32768 : i32
    %parallel_loop3A_110 = arith.constant 16 : i32
    %parallel_loop3A_111 = arith.constant 0 : i32
    %parallel_loop3A_112 = scf.for %parallel_loop3A_176 = %parallel_loop3A_108 to %parallel_loop3A_109 step %parallel_loop3A_110 iter_args(%parallel_loop3A_177 = %parallel_loop3A_111) -> (i32)  : i32 {
      %parallel_loop3A_178 = arith.constant 0 : i32
      %parallel_loop3A_179 = arith.index_cast %parallel_loop3A_178 : i32 to index
      %parallel_loop3A_180 = arith.index_cast %parallel_loop3A_176 : i32 to index
      %parallel_loop3A_181 = tpu.vector_load %arg4[%parallel_loop3A_179, %parallel_loop3A_180] {strides = array<i32>} : memref<1x32768xf32, #tpu.memory_space<vmem>>, vector<16xf32>,
      %parallel_loop3A_182 = vector.bitcast %parallel_loop3A_181 : vector<16xf32> to vector<16xi32>
      %parallel_loop3A_183 = arith.constant 0 : i32
      %parallel_loop3A_184 = vector.broadcast %parallel_loop3A_183 : i32 to vector<16xi32>
      %parallel_loop3A_185 = arith.shrsi %parallel_loop3A_182, %parallel_loop3A_184 : vector<16xi32>
      %parallel_loop3A_186 = arith.constant 127 : i32
      %parallel_loop3A_187 = vector.broadcast %parallel_loop3A_186 : i32 to vector<16xi32>
      %parallel_loop3A_188 = arith.andi %parallel_loop3A_185, %parallel_loop3A_187 : vector<16xi32>
      %parallel_loop3A_189 = arith.constant 7 : i32
      %parallel_loop3A_190 = vector.broadcast %parallel_loop3A_189 : i32 to vector<16xi32>
      %parallel_loop3A_191 = arith.shrsi %parallel_loop3A_182, %parallel_loop3A_190 : vector<16xi32>
      %parallel_loop3A_192 = arith.cmpi eq, %parallel_loop3A_191, %broadcast_in_dim3A_107 : vector<16xi32>
      %parallel_loop3A_193 = arith.constant 4 : i32
      %parallel_loop3A_194 = vector.broadcast %parallel_loop3A_193 : i32 to vector<16xi32>
      %parallel_loop3A_195 = arith.shli %parallel_loop3A_188, %parallel_loop3A_194 : vector<16xi32>
      %parallel_loop3A_196 = arith.ori %parallel_loop3A_195, %iota3A : vector<16xi32>
      tpu.vector_store_idx %arg6[%parallel_loop3A_196], %broadcast_in_dim3A_5 masked %parallel_loop3A_192 {add = true} : memref<4096xf32, #tpu.memory_space<vmem>>[vector<16xi32>], vector<16xf32>, vector<16xi1>
      scf.yield %parallel_loop3A_177 : i32
    } {sc.loop_unroll_factor = 8 : i64, sc.parallel_access}
    %parallel_loop3A_113 = arith.constant 0 : i32
    %parallel_loop3A_114 = arith.constant 128 : i32
    %parallel_loop3A_115 = arith.constant 1 : i32
    %parallel_loop3A_116 = arith.constant 0 : i32
    %parallel_loop3A_117 = scf.for %parallel_loop3A_176 = %parallel_loop3A_113 to %parallel_loop3A_114 step %parallel_loop3A_115 iter_args(%parallel_loop3A_177 = %parallel_loop3A_116) -> (i32)  : i32 {
      %parallel_loop3A_178 = arith.constant 16 : i32
      %parallel_loop3A_179 = arith.muli %parallel_loop3A_176, %parallel_loop3A_178 : i32
      %parallel_loop3A_180 = arith.index_cast %parallel_loop3A_179 : i32 to index
      %parallel_loop3A_181 = tpu.vector_load %arg6[%parallel_loop3A_180] {strides = array<i32>} : memref<4096xf32, #tpu.memory_space<vmem>>, vector<16xf32>,
      %parallel_loop3A_182 = arith.constant true
      %parallel_loop3A_183 = vector.broadcast %parallel_loop3A_182 : i1 to vector<16xi1>
      %parallel_loop3A_184 = tpu.scan <sum>, %parallel_loop3A_181 masked %parallel_loop3A_183 : vector<16xf32>, vector<16xi1> -> vector<16xf32>
      %parallel_loop3A_185 = vector.broadcast %parallel_loop3A_176 : i32 to vector<16xi32>
      %parallel_loop3A_186 = arith.constant 15 : i32
      %parallel_loop3A_187 = vector.broadcast %parallel_loop3A_186 : i32 to vector<16xi32>
      %parallel_loop3A_188 = arith.cmpi eq, %iota3A, %parallel_loop3A_187 : vector<16xi32>
      tpu.vector_store_idx %arg7[%parallel_loop3A_185], %parallel_loop3A_184 masked %parallel_loop3A_188 : memref<256xf32, #tpu.memory_space<vmem>>[vector<16xi32>], vector<16xf32>, vector<16xi1>
      %parallel_loop3A_189 = arith.constant 16 : i32
      %parallel_loop3A_190 = arith.muli %parallel_loop3A_176, %parallel_loop3A_189 : i32
      %parallel_loop3A_191 = arith.index_cast %parallel_loop3A_190 : i32 to index
      %parallel_loop3A_192 = tpu.vector_load %arg6[%parallel_loop3A_191] {strides = array<i32>} : memref<4096xf32, #tpu.memory_space<vmem>>, vector<16xf32>,
      tpu.vector_store %arg6[%parallel_loop3A_191], %broadcast_in_dim3A_7 {strides = array<i32>} : memref<4096xf32, #tpu.memory_space<vmem>>, vector<16xf32>,
      scf.yield %parallel_loop3A_177 : i32
    } {sc.loop_unroll_factor = 4 : i64, sc.parallel_access}
    %broadcast_in_dim3A_118 = arith.constant 0 : i32
    %broadcast_in_dim3A_119 = vector.broadcast %broadcast_in_dim3A_118 : i32 to vector<16xi32>
    %scan3A_120 = arith.constant 0.000000e+00 : f32
    %scan3A_121 = arith.constant 0 : i32
    %scan3A_122 = arith.constant 8 : i32
    %scan3A_123 = arith.addi %scan3A_121, %scan3A_122 : i32
    %scan3A_124 = arith.constant 1 : i32
    %scan3A_125:2 = scf.for %scan3A_176 = %scan3A_121 to %scan3A_123 step %scan3A_124 iter_args(%scan3A_177 = %scan3A_120, %scan3A_178 = %broadcast_in_dim3A_119) -> (f32, vector<16xi32>)  : i32 {
      %sub3A_179 = arith.constant 7 : i32
      %sub3A_180 = arith.subi %sub3A_179, %scan3A_176 : i32
      %mul3A_181 = arith.constant 16 : i32
      %mul3A_182 = arith.muli %sub3A_180, %mul3A_181 : i32
      %get3A = arith.index_cast %mul3A_182 : i32 to index
      %get3A_183 = tpu.vector_load %arg7[%get3A] {strides = array<i32>} : memref<256xf32, #tpu.memory_space<vmem>>, vector<16xf32>,
      %broadcast_in_dim3A_184 = arith.constant true
      %broadcast_in_dim3A_185 = vector.broadcast %broadcast_in_dim3A_184 : i1 to vector<16xi1>
      %masked_cumsum3A = tpu.scan <sum>, %get3A_183 masked %broadcast_in_dim3A_185 : vector<16xf32>, vector<16xi1> -> vector<16xf32>
      %slice3A_186 = vector.extract_strided_slice %masked_cumsum3A {offsets = [15], sizes = [1], strides = [1]} : vector<16xf32> to vector<1xf32>
      %squeeze3A_187 = vector.extract %slice3A_186[0] : f32 from vector<1xf32>
      %sub3A_188 = vector.broadcast %squeeze3A_187 : f32 to vector<16xf32>
      %sub3A_189 = arith.subf %sub3A_188, %masked_cumsum3A : vector<16xf32>
      %add3A_190 = vector.broadcast %scan3A_177 : f32 to vector<16xf32>
      %add3A_191 = arith.addf %sub3A_189, %add3A_190 : vector<16xf32>
      %mul3A_192 = arith.constant 16 : i32
      %mul3A_193 = arith.muli %sub3A_180, %mul3A_192 : i32
      %swap3A_194 = arith.index_cast %mul3A_193 : i32 to index
      %swap3A_195 = tpu.vector_load %arg8[%swap3A_194] {strides = array<i32>} : memref<256xf32, #tpu.memory_space<vmem>>, vector<16xf32>,
      tpu.vector_store %arg8[%swap3A_194], %add3A_191 {strides = array<i32>} : memref<256xf32, #tpu.memory_space<vmem>>, vector<16xf32>,
      %add3A_196 = arith.addf %add3A_191, %get3A_183 : vector<16xf32>
      %ge3A = vector.broadcast %sub3A_103 : f32 to vector<16xf32>
      %ge3A_197 = arith.cmpf oge, %add3A_196, %ge3A : vector<16xf32>
      %jit3A_198 = arith.constant 1 : i32
      %jit3A_199 = arith.constant 0 : i32
      %broadcast_in_dim3A_200 = vector.broadcast %jit3A_198 : i32 to vector<16xi32>
      %broadcast_in_dim3A_201 = vector.broadcast %jit3A_199 : i32 to vector<16xi32>
      %select_n3A_202 = arith.select %ge3A_197, %broadcast_in_dim3A_200, %broadcast_in_dim3A_201 : vector<16xi1>, vector<16xi32>
      %add3A_203 = arith.addi %scan3A_178, %select_n3A_202 : vector<16xi32>
      %add3A_204 = arith.addf %scan3A_177, %squeeze3A_187 : f32
      scf.yield %add3A_204, %add3A_203 : f32, vector<16xi32>
    }
    %scan3A_126 = arith.constant 8 : i32
    %reduce_sum3A_127 = arith.constant true
    %reduce_sum3A_128 = vector.broadcast %reduce_sum3A_127 : i1 to vector<16xi1>
    %reduce_sum3A_129 = tpu.scan <sum>, %scan3A_125#1 masked %reduce_sum3A_128 : vector<16xi32>, vector<16xi1> -> vector<16xi32>
    %reduce_sum3A_130 = vector.extract %reduce_sum3A_129[15] : i32 from vector<16xi32>
    %sub3A_131 = arith.constant 1 : i32
    %sub3A_132 = arith.subi %reduce_sum3A_130, %sub3A_131 : i32
    %broadcast_in_dim3A_133 = vector.broadcast %sub3A_132 : i32 to vector<16xi32>
    %gather3A_134 = tpu.vector_load_idx %arg8[%broadcast_in_dim3A_133] : memref<256xf32, #tpu.memory_space<vmem>>[vector<16xi32>], vector<16xf32>,
    %slice3A_135 = vector.extract_strided_slice %gather3A_134 {offsets = [0], sizes = [1], strides = [1]} : vector<16xf32> to vector<1xf32>
    %squeeze3A_136 = vector.extract %slice3A_135[0] : f32 from vector<1xf32>
    %sub3A_137 = arith.subf %sub3A_103, %squeeze3A_136 : f32
    %shift_left3A_138 = arith.constant 7 : i32
    %shift_left3A_139 = arith.shli %or3A_106, %shift_left3A_138 : i32
    %or3A_140 = arith.ori %shift_left3A_139, %sub3A_132 : i32
    %broadcast_in_dim3A_141 = vector.broadcast %or3A_140 : i32 to vector<16xi32>
    %bitcast3A = vector.bitcast %broadcast_in_dim3A_141 : vector<16xi32> to vector<16xf32>
    %parallel_loop3A_142 = arith.constant 0 : i32
    %parallel_loop3A_143 = arith.constant 32768 : i32
    %parallel_loop3A_144 = arith.constant 16 : i32
    %parallel_loop3A_145:2 = scf.for %parallel_loop3A_176 = %parallel_loop3A_142 to %parallel_loop3A_143 step %parallel_loop3A_144 iter_args(%parallel_loop3A_177 = %broadcast_in_dim3A_7, %parallel_loop3A_178 = %broadcast_in_dim3A_7) -> (vector<16xf32>, vector<16xf32>)  : i32 {
      %parallel_loop3A_179 = arith.constant 0 : i32
      %parallel_loop3A_180 = arith.index_cast %parallel_loop3A_179 : i32 to index
      %parallel_loop3A_181 = arith.index_cast %parallel_loop3A_176 : i32 to index
      %parallel_loop3A_182 = tpu.vector_load %arg4[%parallel_loop3A_180, %parallel_loop3A_181] {strides = array<i32>} : memref<1x32768xf32, #tpu.memory_space<vmem>>, vector<16xf32>,
      %parallel_loop3A_183 = vector.bitcast %parallel_loop3A_182 : vector<16xf32> to vector<16xi32>
      %parallel_loop3A_184 = vector.broadcast %or3A_140 : i32 to vector<16xi32>
      %parallel_loop3A_185 = arith.cmpi sgt, %parallel_loop3A_183, %parallel_loop3A_184 : vector<16xi32>
      %parallel_loop3A_186 = arith.constant 0.000000e+00 : f32
      %parallel_loop3A_187 = vector.broadcast %parallel_loop3A_186 : f32 to vector<16xf32>
      %parallel_loop3A_188 = arith.select %parallel_loop3A_185, %parallel_loop3A_182, %parallel_loop3A_187 : vector<16xi1>, vector<16xf32>
      %parallel_loop3A_189 = arith.addf %parallel_loop3A_177, %parallel_loop3A_188 : vector<16xf32>
      %parallel_loop3A_190 = arith.constant 1.000000e+00 : f32
      %parallel_loop3A_191 = arith.constant 0.000000e+00 : f32
      %parallel_loop3A_192 = vector.broadcast %parallel_loop3A_190 : f32 to vector<16xf32>
      %parallel_loop3A_193 = vector.broadcast %parallel_loop3A_191 : f32 to vector<16xf32>
      %parallel_loop3A_194 = arith.select %parallel_loop3A_185, %parallel_loop3A_192, %parallel_loop3A_193 : vector<16xi1>, vector<16xf32>
      %parallel_loop3A_195 = arith.addf %parallel_loop3A_178, %parallel_loop3A_194 : vector<16xf32>
      scf.yield %parallel_loop3A_189, %parallel_loop3A_195 : vector<16xf32>, vector<16xf32>
    } {sc.loop_unroll_factor = 8 : i64, sc.parallel_access}
    %reduce_sum3A_146 = arith.constant true
    %reduce_sum3A_147 = vector.broadcast %reduce_sum3A_146 : i1 to vector<16xi1>
    %reduce_sum3A_148 = tpu.scan <sum>, %parallel_loop3A_145#0 masked %reduce_sum3A_147 : vector<16xf32>, vector<16xi1> -> vector<16xf32>
    %reduce_sum3A_149 = vector.extract %reduce_sum3A_148[15] : f32 from vector<16xf32>
    %reduce_sum3A_150 = arith.constant true
    %reduce_sum3A_151 = vector.broadcast %reduce_sum3A_150 : i1 to vector<16xi1>
    %reduce_sum3A_152 = tpu.scan <sum>, %parallel_loop3A_145#1 masked %reduce_sum3A_151 : vector<16xf32>, vector<16xi1> -> vector<16xf32>
    %reduce_sum3A_153 = vector.extract %reduce_sum3A_152[15] : f32 from vector<16xf32>
    %slice3A_154 = vector.extract_strided_slice %bitcast3A {offsets = [0], sizes = [1], strides = [1]} : vector<16xf32> to vector<1xf32>
    %squeeze3A_155 = vector.extract %slice3A_154[0] : f32 from vector<1xf32>
    %reduce_sum3A_156 = arith.constant true
    %reduce_sum3A_157 = vector.broadcast %reduce_sum3A_156 : i1 to vector<16xi1>
    %reduce_sum3A_158 = tpu.scan <sum>, %parallel_loop3A_15 masked %reduce_sum3A_157 : vector<16xf32>, vector<16xi1> -> vector<16xf32>
    %reduce_sum3A_159 = vector.extract %reduce_sum3A_158[15] : f32 from vector<16xf32>
    %sub3A_160 = arith.constant 3.277000e+03 : f32
    %sub3A_161 = arith.subf %sub3A_160, %reduce_sum3A_153 : f32
    %mul3A_162 = arith.mulf %squeeze3A_155, %sub3A_161 : f32
    %add3A_163 = arith.addf %reduce_sum3A_149, %mul3A_162 : f32
    %mul3A_164 = arith.constant 3.05157155E-4 : f32
    %mul3A_165 = arith.mulf %add3A_163, %mul3A_164 : f32
    %sub3A_166 = arith.subf %reduce_sum3A_159, %add3A_163 : f32
    %mul3A_167 = arith.constant 3.39086509E-5 : f32
    %mul3A_168 = arith.mulf %sub3A_166, %mul3A_167 : f32
    %sub3A_169 = arith.subf %mul3A_165, %mul3A_168 : f32
    %eq3A = arith.constant 0 : i32
    %eq3A_170 = vector.broadcast %eq3A : i32 to vector<16xi32>
    %eq3A_171 = arith.cmpi eq, %iota3A, %eq3A_170 : vector<16xi32>
    %jit3A = arith.constant 0.000000e+00 : f32
    %broadcast_in_dim3A_172 = vector.broadcast %sub3A_169 : f32 to vector<16xf32>
    %broadcast_in_dim3A_173 = vector.broadcast %jit3A : f32 to vector<16xf32>
    %select_n3A = arith.select %eq3A_171, %broadcast_in_dim3A_172, %broadcast_in_dim3A_173 : vector<16xi1>, vector<16xf32>
    %add3A_174 = arith.addf %broadcast_in_dim3A_3, %select_n3A : vector<16xf32>
    %swap3A = arith.constant 0 : index
    %swap3A_175 = tpu.vector_load %arg5[%swap3A] {strides = array<i32>} : memref<16xf32, #tpu.memory_space<vmem>>, vector<16xf32>,
    tpu.vector_store %arg5[%swap3A], %add3A_174 {strides = array<i32>} : memref<16xf32, #tpu.memory_space<vmem>>, vector<16xf32>,
    "tpu.region"() ({
      %run_scoped3A = tpu.sem_alloc : memref<!tpu.dma_semaphore, #tpu.memory_space<semaphore_mem>>
      %dma_start3A = arith.constant 0 : i32
      %dma_start3A_176 = tpu.memref_slice %arg3[%add3A, %dma_start3A] : memref<32x16xf32, #tpu.memory_space<hbm>> -> memref<1x16xf32, #tpu.memory_space<hbm>>
      %dma_start3A_177 = tpu.memref_squeeze %dma_start3A_176 : memref<1x16xf32, #tpu.memory_space<hbm>> -> memref<16xf32, #tpu.memory_space<hbm>>
      %dma_start3A_178 = arith.constant 0 : i32
      %dma_start3A_179 = tpu.memref_slice %arg3[%add3A, %dma_start3A_178] : memref<32x16xf32, #tpu.memory_space<hbm>> -> memref<1x16xf32, #tpu.memory_space<hbm>>
      %dma_start3A_180 = tpu.memref_squeeze %dma_start3A_179 : memref<1x16xf32, #tpu.memory_space<hbm>> -> memref<16xf32, #tpu.memory_space<hbm>>
      tpu.enqueue_dma source(%arg5 : memref<16xf32, #tpu.memory_space<vmem>>) target(%dma_start3A_180 : memref<16xf32, #tpu.memory_space<hbm>>) target_semaphore(%run_scoped3A : memref<!tpu.dma_semaphore, #tpu.memory_space<semaphore_mem>>)
      %dma_wait3A = arith.constant 0 : i32
      %dma_wait3A_181 = tpu.memref_slice %arg3[%add3A, %dma_wait3A] : memref<32x16xf32, #tpu.memory_space<hbm>> -> memref<1x16xf32, #tpu.memory_space<hbm>>
      %dma_wait3A_182 = tpu.memref_squeeze %dma_wait3A_181 : memref<1x16xf32, #tpu.memory_space<hbm>> -> memref<16xf32, #tpu.memory_space<hbm>>
      %dma_wait3A_183 = arith.constant 0 : i32
      %dma_wait3A_184 = tpu.memref_slice %arg3[%add3A, %dma_wait3A_183] : memref<32x16xf32, #tpu.memory_space<hbm>> -> memref<1x16xf32, #tpu.memory_space<hbm>>
      %dma_wait3A_185 = tpu.memref_squeeze %dma_wait3A_184 : memref<1x16xf32, #tpu.memory_space<hbm>> -> memref<16xf32, #tpu.memory_space<hbm>>
      tpu.wait_dma2 semaphore(%run_scoped3A : memref<!tpu.dma_semaphore, #tpu.memory_space<semaphore_mem>>) src(%arg5 : memref<16xf32, #tpu.memory_space<vmem>>) dst(%dma_wait3A_185 : memref<16xf32, #tpu.memory_space<hbm>>)
      tpu.yield
    }) : () -> ()
    return
  }
}

module attributes {stable_mosaic.version = 14 : i64} {
  func.func @_fin_body(%arg0: memref<32x16xf32, #tpu.memory_space<vmem>>, %arg1: memref<1x1xf32, #tpu.memory_space<vmem>>, %arg2: memref<1x1xf32, #tpu.memory_space<vmem>>) attributes {dimension_semantics = [], scalar_prefetch = 0 : i64, scratch_operands = 0 : i64, tpu.core_type = #tpu.core_type<tc>} {
    %get3A = arith.constant 0 : index
    %get3A_0 = arith.constant 0 : index
    %get3A_1 = vector.load %arg0[%get3A, %get3A_0] : memref<32x16xf32, #tpu.memory_space<vmem>>, vector<32x16xf32>
    %reduce_sum3A = vector.shape_cast %get3A_1 : vector<32x16xf32> to vector<1x32x16xf32>
    %reduce_sum3A_2 = arith.constant dense<0.000000e+00> : vector<1xf32>
    %reduce_sum3A_3 = vector.multi_reduction <add>, %reduce_sum3A, %reduce_sum3A_2 [1, 2] : vector<1x32x16xf32> to vector<1xf32>
    %reduce_sum3A_4 = vector.shape_cast %reduce_sum3A_3 : vector<1xf32> to vector<1x1x1xf32>
    %reduce_sum3A_5 = vector.extract %reduce_sum3A_4[0, 0, 0] : f32 from vector<1x1x1xf32>
    %get3A_6 = arith.constant 0 : index
    %get3A_7 = arith.constant 0 : index
    %get3A_8 = vector.load %arg1[%get3A_6, %get3A_7] : memref<1x1xf32, #tpu.memory_space<vmem>>, vector<1x1xf32>
    %get3A_9 = vector.extract %get3A_8[0, 0] : f32 from vector<1x1xf32>
    %add3A = arith.addf %reduce_sum3A_5, %get3A_9 : f32
    %mul3A = arith.constant 1.562500e-02 : f32
    %mul3A_10 = arith.mulf %add3A, %mul3A : f32
    %reshape3A = vector.broadcast %mul3A_10 : f32 to vector<1x1xf32>
    %swap3A = arith.constant 0 : index
    %swap3A_11 = arith.constant 0 : index
    %swap3A_12 = vector.load %arg2[%swap3A, %swap3A_11] : memref<1x1xf32, #tpu.memory_space<vmem>>, vector<1x1xf32>
    tpu.vector_store %arg2[%swap3A, %swap3A_11], %reshape3A {strides = array<i32>} : memref<1x1xf32, #tpu.memory_space<vmem>>, vector<1x1xf32>,
    return
  }
}

module attributes {stable_mosaic.version = 14 : i64} {
  func.func @_tc_rows_body(%arg0: i32, %arg1: memref<32x32768xf32, #tpu.memory_space<vmem>>, %arg2: memref<1x1xf32, #tpu.memory_space<vmem>>) attributes {dimension_semantics = [#tpu.dimension_semantics<arbitrary>], iteration_bounds = array<i64: 1>, scalar_prefetch = 0 : i64, scratch_operands = 0 : i64, tpu.core_type = #tpu.core_type<tc>, window_params = [{transform_indices = @transform_0, window_bounds = array<i64: 32, 32768>}, {pipeline_mode = #tpu.pipeline_mode<synchronous>, transform_indices = @transform_1, window_bounds = array<i64: 1, 1>}]} {
    %get3A = arith.constant 0 : index
    %get3A_0 = arith.constant 0 : index
    %get3A_1 = vector.load %arg1[%get3A, %get3A_0] : memref<32x32768xf32, #tpu.memory_space<vmem>>, vector<32x32768xf32>
    %bitcast_convert_type3A = tpu.bitcast %get3A_1 : vector<32x32768xf32> -> vector<32x32768xi32>
    %broadcast_in_dim3A = arith.constant 0 : i32
    %broadcast_in_dim3A_2 = vector.broadcast %broadcast_in_dim3A : i32 to vector<32x1xi32>
    %broadcast_in_dim3A_3 = arith.constant 2139095040 : i32
    %broadcast_in_dim3A_4 = vector.broadcast %broadcast_in_dim3A_3 : i32 to vector<32x1xi32>
    %scan3A = arith.constant 0 : i32
    %scan3A_5 = arith.constant 31 : i32
    %scan3A_6 = arith.addi %scan3A, %scan3A_5 : i32
    %scan3A_7 = arith.constant 1 : i32
    %scan3A_8:2 = scf.for %scan3A_40 = %scan3A to %scan3A_6 step %scan3A_7 iter_args(%scan3A_41 = %broadcast_in_dim3A_2, %scan3A_42 = %broadcast_in_dim3A_4) -> (vector<32x1xi32>, vector<32x1xi32>)  : i32 {
      %sub3A_43 = arith.subi %scan3A_42, %scan3A_41 : vector<32x1xi32>
      %shift_right_arithmetic3A = arith.constant 1 : i32
      %shift_right_arithmetic3A_44 = vector.broadcast %shift_right_arithmetic3A : i32 to vector<32x1xi32>
      %shift_right_arithmetic3A_45 = arith.shrsi %sub3A_43, %shift_right_arithmetic3A_44 : vector<32x1xi32>
      %add3A_46 = arith.addi %scan3A_41, %shift_right_arithmetic3A_45 : vector<32x1xi32>
      %ge3A = vector.broadcast %add3A_46 : vector<32x1xi32> to vector<32x32768xi32>
      %ge3A_47 = arith.cmpi sge, %bitcast_convert_type3A, %ge3A : vector<32x32768xi32>
      %convert_element_type3A_48 = arith.extui %ge3A_47 : vector<32x32768xi1> to vector<32x32768xi32>
      %reduce_sum3A_49 = arith.constant dense<0> : vector<32xi32>
      %reduce_sum3A_50 = vector.multi_reduction <add>, %convert_element_type3A_48, %reduce_sum3A_49 [1] : vector<32x32768xi32> to vector<32xi32>
      %broadcast_in_dim3A_51 = vector.shape_cast %reduce_sum3A_50 : vector<32xi32> to vector<32x1xi32>
      %ge3A_52 = arith.constant 3277 : i32
      %ge3A_53 = vector.broadcast %ge3A_52 : i32 to vector<32x1xi32>
      %ge3A_54 = arith.cmpi sge, %broadcast_in_dim3A_51, %ge3A_53 : vector<32x1xi32>
      %select_n3A_55 = arith.select %ge3A_54, %add3A_46, %scan3A_41 : vector<32x1xi1>, vector<32x1xi32>
      %select_n3A_56 = arith.select %ge3A_54, %scan3A_42, %add3A_46 : vector<32x1xi1>, vector<32x1xi32>
      scf.yield %select_n3A_55, %select_n3A_56 : vector<32x1xi32>, vector<32x1xi32>
    }
    %bitcast_convert_type3A_9 = tpu.bitcast %scan3A_8#0 : vector<32x1xi32> -> vector<32x1xf32>
    %gt3A = vector.broadcast %scan3A_8#0 : vector<32x1xi32> to vector<32x32768xi32>
    %gt3A_10 = arith.cmpi sgt, %bitcast_convert_type3A, %gt3A : vector<32x32768xi32>
    %jit3A = arith.constant 0.000000e+00 : f32
    %broadcast_in_dim3A_11 = vector.broadcast %jit3A : f32 to vector<32x32768xf32>
    %select_n3A = arith.select %gt3A_10, %get3A_1, %broadcast_in_dim3A_11 : vector<32x32768xi1>, vector<32x32768xf32>
    %reduce_sum3A = arith.constant dense<0.000000e+00> : vector<32xf32>
    %reduce_sum3A_12 = vector.multi_reduction <add>, %select_n3A, %reduce_sum3A [1] : vector<32x32768xf32> to vector<32xf32>
    %broadcast_in_dim3A_13 = vector.shape_cast %reduce_sum3A_12 : vector<32xf32> to vector<32x1xf32>
    %convert_element_type3A = arith.extui %gt3A_10 : vector<32x32768xi1> to vector<32x32768xi32>
    %convert_element_type3A_14 = arith.sitofp %convert_element_type3A : vector<32x32768xi32> to vector<32x32768xf32>
    %reduce_sum3A_15 = arith.constant dense<0.000000e+00> : vector<32xf32>
    %reduce_sum3A_16 = vector.multi_reduction <add>, %convert_element_type3A_14, %reduce_sum3A_15 [1] : vector<32x32768xf32> to vector<32xf32>
    %broadcast_in_dim3A_17 = vector.shape_cast %reduce_sum3A_16 : vector<32xf32> to vector<32x1xf32>
    %max3A = arith.constant 0.000000e+00 : f32
    %max3A_18 = vector.broadcast %max3A : f32 to vector<32x32768xf32>
    %max3A_19 = arith.maximumf %get3A_1, %max3A_18 : vector<32x32768xf32>
    %reduce_sum3A_20 = arith.constant dense<0.000000e+00> : vector<32xf32>
    %reduce_sum3A_21 = vector.multi_reduction <add>, %max3A_19, %reduce_sum3A_20 [1] : vector<32x32768xf32> to vector<32xf32>
    %broadcast_in_dim3A_22 = vector.shape_cast %reduce_sum3A_21 : vector<32xf32> to vector<32x1xf32>
    %sub3A = arith.constant 3.277000e+03 : f32
    %sub3A_23 = vector.broadcast %sub3A : f32 to vector<32x1xf32>
    %sub3A_24 = arith.subf %sub3A_23, %broadcast_in_dim3A_17 : vector<32x1xf32>
    %mul3A = arith.mulf %bitcast_convert_type3A_9, %sub3A_24 : vector<32x1xf32>
    %add3A = arith.addf %broadcast_in_dim3A_13, %mul3A : vector<32x1xf32>
    %mul3A_25 = arith.constant 3.05157155E-4 : f32
    %mul3A_26 = vector.broadcast %mul3A_25 : f32 to vector<32x1xf32>
    %mul3A_27 = arith.mulf %add3A, %mul3A_26 : vector<32x1xf32>
    %sub3A_28 = arith.subf %broadcast_in_dim3A_22, %add3A : vector<32x1xf32>
    %mul3A_29 = arith.constant 3.39086509E-5 : f32
    %mul3A_30 = vector.broadcast %mul3A_29 : f32 to vector<32x1xf32>
    %mul3A_31 = arith.mulf %sub3A_28, %mul3A_30 : vector<32x1xf32>
    %sub3A_32 = arith.subf %mul3A_27, %mul3A_31 : vector<32x1xf32>
    %reduce_sum3A_33 = vector.shape_cast %sub3A_32 : vector<32x1xf32> to vector<1x32x1xf32>
    %reduce_sum3A_34 = arith.constant dense<0.000000e+00> : vector<1xf32>
    %reduce_sum3A_35 = vector.multi_reduction <add>, %reduce_sum3A_33, %reduce_sum3A_34 [1, 2] : vector<1x32x1xf32> to vector<1xf32>
    %reduce_sum3A_36 = vector.shape_cast %reduce_sum3A_35 : vector<1xf32> to vector<1x1x1xf32>
    %reduce_sum3A_37 = vector.extract %reduce_sum3A_36[0, 0, 0] : f32 from vector<1x1x1xf32>
    %reshape3A = vector.broadcast %reduce_sum3A_37 : f32 to vector<1x1xf32>
    %swap3A = arith.constant 0 : index
    %swap3A_38 = arith.constant 0 : index
    %swap3A_39 = vector.load %arg2[%swap3A, %swap3A_38] : memref<1x1xf32, #tpu.memory_space<vmem>>, vector<1x1xf32>
    tpu.vector_store %arg2[%swap3A, %swap3A_38], %reshape3A {strides = array<i32>} : memref<1x1xf32, #tpu.memory_space<vmem>>, vector<1x1xf32>,
    return
  }
  func.func @transform_0(%arg0: i32) -> (i32, i32) {
    %c1_i32 = arith.constant 1 : i32
    %c0_i32 = arith.constant 0 : i32
    %c0_i32_0 = arith.constant 0 : i32
    return %c1_i32, %c0_i32 : i32, i32
  }
  func.func @transform_1(%arg0: i32) -> (i32, i32) {
    %c0_i32 = arith.constant 0 : i32
    %c0_i32_0 = arith.constant 0 : i32
    %c0_i32_1 = arith.constant 0 : i32
    return %c0_i32, %c0_i32_0 : i32, i32
  }
}

</mosaic_0001>

<sc_bundles>
// kernel: kernel.5.cloned.1.call-start
scs
__scs_entry_jumppad:
0x0: {  	(pc) =	sbr.rel $0x88, $3  }
0x1: {  	(tag) =	ssettag $0x0;
	lr =	simm.s32 $0x1  }
0x2: {  	[smem:$0x3FA0] =	sst lr;
	_ =	strace $0xD0000000  }
0x3: {  	_ = 	snop  }
0x4: {  	_ = 	snop  }
0x5: {  	_ = 	snop  }
0x6: {  	_ = 	snop  }
0x7: {  	_ = 	snop  }
__scs_overlays_trampoline_lowered:
0x8: {  	[smem:$0x3FAF] =	sst s0  }
0x9: {  	[smem:$0x3FB0] =	sst s1  }
0xa: {  	[smem:$0x3FB1] =	sst s2  }
0xb: {  	[smem:$0x3FB2] =	sst s3  }
0xc: {  	[smem:$0x3FB3] =	sst s4  }
0xd: {  	[smem:$0x3FB4] =	sst s5  }
0xe: {  	[smem:$0x3FB5] =	sst s6  }
0xf: {  	[smem:$0x3FB6] =	sst s7  }
0x10: {  	[smem:$0x3FB7] =	sst s8  }
0x11: {  	[smem:$0x3FB8] =	sst s9;
	s0 =	simm.s32 @!p0 $0x0  }
0x12: {  	s1 =	sld [smem:$0x3F9E];
	s0 =	simm.s32 @p0 $0x1  }
0x13: {  	[smem:$0x3FB9] =	sst s0;
	s0 =	simm.s32 @!p1 $0x0  }
0x14: {  	s2 =	sld [smem:$0x3F9D];
	s0 =	simm.s32 @p1 $0x1  }
0x15: {  	[smem:$0x3FBA] =	sst s0;
	s0 =	simm.s32 @!p2 $0x0  }
0x16: {  	s3 =	sld [smem:$0x3FDB];
	s0 =	simm.s32 @p2 $0x1  }
0x17: {  	s4 =	simm.s32 $0x1BF5;
	[smem:$0x3FBC] =	sst s0  }
0x18: {  	s0 =	sld [smem:$0x3F9F];
	_ =	swait.ge [sflag:s4], $0x0  }
0x19: {  	s7 =	sld [smem:$0x3FA0]  }
0x1a: {  	s8 =	sadd.s32 $0xFFFFE003, lr  }
0x1b: {  	s9 =	sadd.s32 $0xFFFFFEF7, lr;
	s5 =	simm.s32 $0xFFFFFFFF;
	p2 =	slt.u32 s8, $0xFFFFF086  }
0x1c: {  	p1 =	slt.u32 s9, $0xF7A;
	s5 =	simm.s32 @!p2 $0x0  }
0x1d: {  	s5 =	simm.s32 @p1 $0x1;
	p0 =	seq.s32 s7, s2  }
0x1e: {  	s7 =	smul.u32 @!p0 $0xF7A, s2;
	p2 =	seq.s32 @!p0 s5, $0x0  }
0x1f: {  	s9 =	smul.u32 $0xF7A, s1;
	s8 =	simm.s32 @!p0 $0x1BF5;
	p2 =	por !p2, p0  }
0x20: {  	[sflag:s8] =	ssyncset.s32 @!p0 $0xFFFFF086;
	s6 =	sadd.s32 @!p0 s3, s7;
	s7 =	simm.s32 @!p0 $0x108  }
0x21: {  	s3 =	sadd.s32 s3, s9;
	s6 =	sadd.s32 @!p0 $0x88, s6;
	s7 =	simm.s32 @p2 $0x1082  }
0x22: {  	[simem:s7], [sflag:s8] =	dma.local @!p0 [hbm:s6], $0xF7A  }
0x23: {  	s9 =	sor.u32 $0xD0000000, s2;
	s6 =	simm.s32 $0x108;
	_ =	swait.ge @!p0 [sflag:s8], $0x0  }
0x24: {  	s3 =	sadd.s32 $0x88, s3;
	s6 =	simm.s32 @!p1 $0x1082;
	[sflag:s4] =	ssyncset.s32 $0xFFFFF086  }
0x25: {  	[simem:s6], [sflag:s4] =	dma.local [hbm:s3], $0xF7A  }
0x26: {  	[smem:$0x3FA0] =	sst s1;
	(tag) =	ssettag s2;
	_ =	strace s9  }
0x27: {  	s1 =	sld [smem:$0x3FB0]  }
0x28: {  	s2 =	sld [smem:$0x3FB1]  }
0x29: {  	s4 =	sld [smem:$0x3FB3]  }
0x2a: {  	p0 =	seq.s32 s5, $0x0;
	s5 =	sld [smem:$0x3FB4]  }
0x2b: {  	s6 =	sld [smem:$0x3FB5]  }
0x2c: {  	s7 =	sld [smem:$0x3FB6]  }
0x2d: {  	s3 =	simm.s32 $0x108;
	s8 =	sld [smem:$0x3FB7]  }
0x2e: {  	s3 =	simm.s32 @!p0 $0x1082;
	s9 =	sld [smem:$0x3FB8]  }
0x2f: {  	lr =	sadd.s32 s0, s3;
	s0 =	sld [smem:$0x3FAF]  }
0x30: {  	s3 =	sld [smem:$0x3FB2]  }
0x31: {  	[smem:$0x3FBB] =	sst s10  }
0x32: {  	s10 =	sld [smem:$0x3FB9];
	_ =	sdelay $0x3  }
0x33: {  	p0 =	seq.s32 s10, $0x1;
	s10 =	sld [smem:$0x3FBB];
	_ =	sdelay $0x3  }
0x34: {  	[smem:$0x3FBB] =	sst s10  }
0x35: {  	s10 =	sld [smem:$0x3FBA];
	_ =	sdelay $0x3  }
0x36: {  	p1 =	seq.s32 s10, $0x1;
	s10 =	sld [smem:$0x3FBB];
	_ =	sdelay $0x3  }
0x37: {  	[smem:$0x3FBB] =	sst s10  }
0x38: {  	s10 =	sld [smem:$0x3FBC]  }
0x39: {  	_ = 	snop;
	(pc) =	sbr.ind lr, $3  }
0x3a: {  	_ = 	snop  }
0x3b: {  	_ = 	snop  }
0x3c: {  	p2 =	seq.s32 s10, $0x1;
	s10 =	sld [smem:$0x3FBB]  }
0x3d: {  	_ =	shalt  }
0x3e: {  	_ =	shalt  }
0x3f: {  	_ =	shalt  }
0x40: {  	_ =	shalt  }
0x41: {  	_ =	shalt  }
0x42: {  	_ =	shalt  }
0x43: {  	_ =	shalt  }
0x44: {  	_ =	shalt  }
0x45: {  	_ =	shalt  }
0x46: {  	_ =	shalt  }
0x47: {  	_ =	shalt  }
0x48: {  	_ =	shalt  }
0x49: {  	_ =	shalt  }
0x4a: {  	_ =	shalt  }
0x4b: {  	_ =	shalt  }
0x4c: {  	_ =	shalt  }
0x4d: {  	_ =	shalt  }
0x4e: {  	_ =	shalt  }
0x4f: {  	_ =	shalt  }
0x50: {  	_ =	shalt  }
0x51: {  	_ =	shalt  }
0x52: {  	_ =	shalt  }
0x53: {  	_ =	shalt  }
0x54: {  	_ =	shalt  }
0x55: {  	_ =	shalt  }
0x56: {  	_ =	shalt  }
0x57: {  	_ =	shalt  }
0x58: {  	_ =	shalt  }
0x59: {  	_ =	shalt  }
0x5a: {  	_ =	shalt  }
0x5b: {  	_ =	shalt  }
0x5c: {  	_ =	shalt  }
0x5d: {  	_ =	shalt  }
0x5e: {  	_ =	shalt  }
0x5f: {  	_ =	shalt  }
0x60: {  	_ =	shalt  }
0x61: {  	_ =	shalt  }
0x62: {  	_ =	shalt  }
0x63: {  	_ =	shalt  }
0x64: {  	_ =	shalt  }
0x65: {  	_ =	shalt  }
0x66: {  	_ =	shalt  }
0x67: {  	_ =	shalt  }
0x68: {  	_ =	shalt  }
0x69: {  	_ =	shalt  }
0x6a: {  	_ =	shalt  }
0x6b: {  	_ =	shalt  }
0x6c: {  	_ =	shalt  }
0x6d: {  	_ =	shalt  }
0x6e: {  	_ =	shalt  }
0x6f: {  	_ =	shalt  }
0x70: {  	_ =	shalt  }
0x71: {  	_ =	shalt  }
0x72: {  	_ =	shalt  }
0x73: {  	_ =	shalt  }
0x74: {  	_ =	shalt  }
0x75: {  	_ =	shalt  }
0x76: {  	_ =	shalt  }
0x77: {  	_ =	shalt  }
0x78: {  	_ =	shalt  }
0x79: {  	_ =	shalt  }
0x7a: {  	_ =	shalt  }
0x7b: {  	_ =	shalt  }
0x7c: {  	_ =	shalt  }
0x7d: {  	_ =	shalt  }
0x7e: {  	_ =	shalt  }
0x7f: {  	_ =	shalt  }
0x80: {  	_ =	shalt  }
0x81: {  	_ =	shalt  }
0x82: {  	_ =	shalt  }
0x83: {  	_ =	shalt  }
0x84: {  	_ =	shalt  }
0x85: {  	_ =	shalt  }
0x86: {  	_ =	shalt  }
0x87: {  	_ =	shalt  }
.Lfunc_end0:
.L_simem_size_0:
called_computation_lowered:
.L_overlay_start_0:
0x88: {  	s2 =	sld [smem:$0x3FD9]  }
0x89: {  	s3 =	sld [smem:$0x3FFE];
	_ =	sdelay $0x1  }
0x8a: {  	s1 =	srdreg.scid  }
0x8b: {  	s0 =	sand.u32 $0x1, s1  }
0x8c: {  	s17 =	sshll.u32 s0, $0xA;
	s2 =	sadd.s32 s3, s2  }
0x8d: {  	s2 =	sadd.s32 s2, s17  }
0x8e: {  	[smem:$0x3FC7] =	sst s2  }
0x8f: {  	_ = 	snop  }
0x90: {  	s2 =	sld [smem:$0x3FC9];
	(tm) =	ssettm $0x1  }
0x91: {  	s18 =	sld [smem:$0x3FFB];
	_ =	sdelay $0x3  }
0x92: {  	_ =	strace s18  }
0x93: {  	s3 =	sld [smem:$0x3FFC];
	_ =	sdelay $0x3  }
0x94: {  	_ =	strace s3  }
0x95: {  	s3 =	sld [smem:$0x3FFD];
	_ =	sdelay $0x3  }
0x96: {  	_ =	strace s3  }
0x97: {  	_ =	strace $0x8FFFFFFF  }
0x98: {  	s19 =	sld [smem:$0x3FDB];
	_ =	sdelay $0x1  }
0x99: {  	s4 =	simm.s32 $_scs_section_size  }
0x9a: {  	s5 =	simm.s32 $_size__tile_overlayer_lowered;
	s6 =	simm.s32 $_tile_overlayer_lowered  }
0x9b: {  	s22 =	simm.s32 $0x1BFF;
	s21 =	sshll.u32 s6, $0x1;
	s3 =	sadd.s32 s4, s19  }
0x9c: {  	s7 =	simm.s32 $0x0;
	s20 =	sshll.u32 s5, $0x1;
	s5 =	sadd.s32 s21, s3  }
0x9d: {  	[timem:s7], [sflag:s22] =	dma.local [hbm:s5], s20  }
0x9e: {  	_ =	swait.ge [sflag:s22], s20  }
0x9f: {  	s4 =	ssub.s32 $0x0, s20;
	[sflag:s22] =	ssyncset.done $0x0  }
0xa0: {  	[sflag:s22] =	ssyncadd.s32 s4;
	_ =	sdelay $0x1  }
0xa1: {  	s23 =	simm.s32 $0x1B8B  }
0xa2: {  	_ =	swait.ge [sflag:s23], $0x1  }
0xa3: {  	[sflag:s23] =	ssyncset.done $0x0  }
0xa4: {  	s25 =	simm.s32 $0x1B8E;
	s24 =	sld [smem:$0x3FFE];
	[sflag:s23] =	ssyncadd.s32 $0xFFFFFFFF  }
0xa5: {  	s26 =	simm.s32 $execute0_lowered;
	[smem:$0x3FD2] =	sst s25  }
0xa6: {  	s5 =	sshll.u32 s26, $0x1;
	_ =	strace $0x80000046;
	[dreg:$0x1] =	wrdreg $0xFFFFFFFF  }
0xa7: {  	s28 =	simm.s32 $_size_execute0_lowered;
	s3 =	sadd.s32 s3, s5;
	[dreg:$0x0] =	wrdreg $0x0  }
0xa8: {  	s5 =	sshll.u32 s28, $0x1;
	[dreg:$0x2] =	wrdreg s3  }
0xa9: {  	[dreg:$0x3] =	wrdreg s5  }
0xaa: {  	[dreg:$0x4] =	wrdreg $0xC0  }
0xab: {  	_ =	task [dreg:s7], $0x5FFFF  }
0xac: {  	[dreg:$0x1] =	wrdreg $0xFFFFFFFF  }
0xad: {  	[dreg:$0x0] =	wrdreg $0x60  }
0xae: {  	[dreg:$0x2] =	wrdreg s2  }
0xaf: {  	[dreg:$0x3] =	wrdreg s24  }
0xb0: {  	[dreg:$0x4] =	wrdreg $0x9  }
0xb1: {  	_ =	task.clear_ibuf [dreg:s7], $0x5FFFF;
	_ =	strace $0x90000046  }
0xb2: {  	s29 =	simm.s32 $0x9;
	_ =	strace $0x80000048  }
0xb3: {  	_ =	swait.ge [sflag:s29], $0x1  }
0xb4: {  	[sflag:s29] =	ssyncadd.s32 $0xFFFFFFFF  }
0xb5: {  	_ =	strace $0x90000048  }
0xb6: {  	_ =	sfence  }
0xb7: {  	s30 =	sld [smem:$0x0];
	_ =	sdelay $0x2  }
0xb8: {  	s31 =	sshll.u32 s1, $0xD;
	s1 =	sshrl.u32 s1, $0x2  }
0xb9: {  	s3 =	sand.u32 $0x4000, s31;
	s1 =	sadd.s32 s1, s30  }
0xba: {  	s0 =	sor.u32 s3, s0;
	s1 =	sshll.u32 s1, $0x11  }
0xbb: {  	s0 =	sor.u32 s1, s0  }
0xbc: {  	s0 =	sadd.s32 $0x8F2B, s0  }
0xbd: {  	[sflag:s0] =	ssyncadd.remote.s32 $0x1  }
0xbe: {  	_ =	sfence.sel $0xFFFF  }
0xbf: {  	[dreg:$0x0] =	wrdreg $0xFFFFFFFF;
	(pc) =	sbr.abs _section_cstart, $3  }
0xc0: {  	[dreg:$0x1] =	wrdreg $0xFFFFFFFF  }
0xc1: {  	_ =	task.clear_ibuf [dreg:s7], $0x2FFFF;
	_ =	strace $0x9FFFFFFF  }
0xc2: {  	(tm) =	ssettm $0x7FFFFFFF  }
0xc3: {  	_ =	shalt  }
tec
execute0_lowered:
.L_overlay_start_1:
0x0: {  	(tag) =	ssettag $0x1  }
0x1: {  	s3 =	rddreg [dreg:$0x0]  }
0x2: {  	s4 =	rddreg [dreg:$0x1]  }
0x3: {  	s0 =	rddreg [dreg:$0x2]  }
0x4: {  	s5 =	srdreg.scid;
	s1 =	stileid.u32  }
0x5: {  	s2 =	simm.s32 $0x0;
	s9 =	simm.s32 $0x8080;
	s10 =	simm.s32 $0x9080  }
0x6: {  	s11 =	simm.s32 $0x9180;
	s12 =	simm.s32 $0x8000;
	s13 =	simm.s32 $0x0  }
0x7: {  	s5 =	sand.u32 $0x1, s5;
	s6 =	sshll.u32 s1, $0x8;
	s7 =	sshrl.u32 s1, $0x2  }
0x8: {  	[smem:$0x7FF] =	sst s2;
	s8 =	sshll.u32 s5, $0x7;
	s6 =	sand.u32 $0x300, s6  }
0x9: {  	s30 =	sshll.u32 s7, $0xA;
	_ =	strace $0x80000047;
	s5 =	ssub.s32 $0x2, s5  }
0xa: {  	s7 =	sshll.u32 s7, $0x12;
	s6 =	sor.u32 s8, s6;
	s31 =	sshrl.u32 s5, $0x1  }
0xb: {  	vm0 =	vcmask $0x3F3C;
	s8 =	sor.u32 s30, s6;
	s6 =	sor.u32 s7, s6;
	s5 =	ssub.s32 s5, s31  }
0xc: {  	s7 =	simm.s32 $0x400;
	s8 =	sshrl.u32 s8, $0x3;
	s6 =	sshrl.u32 s6, $0x3  }
0xd: {  	v0 =	vlaneseq.u32;
	v1 =	vimm.f32 $1.000000000e+00;
	s5 =	smax.u32 s5, $0x1;
	s4 =	sadd.s32 s8, s4;
	s3 =	sadd.s32 s3, s6  }
0xe: {  	v2 =	vimm.f32 $0.0e+00;
	v3 =	vimm.s32 $0x0;
	vm1 =	vcmask $0x300;
	s6 =	simm.s32 $0x80;
	s8 =	simm.s32 $0x1;
	s4 =	sadd.s32 $0x800, s4  }
.LBB2_1:
0xf: {  	[tilespmem:s2], [sflag:$0x1] =	stream.strided.gather [hbm4b:s3+s6], $0x8000, s7, s6, $0x38;
	[tilespmem:$0x9280] =	vst v63  }
0x10: {  	_ =	swait.ge [sflag:s8], $0x8000  }
0x11: {  	[sflag:s8] =	ssyncset.done $0x0  }
0x12: {  	s15 =	simm.s32 $0x80C0;
	[sflag:s8] =	ssyncadd.s32 $0xFFFF8000  }
0x13: {  	[tilespmem:s15+$0x30] =	vst v2  }
0x14: {  	[tilespmem:s15+$0xFFFFFFC0] =	vst v2  }
0x15: {  	[tilespmem:s15+$0xFFFFFFD0] =	vst v2  }
0x16: {  	[tilespmem:s15+$0xFFFFFFE0] =	vst v2  }
0x17: {  	[tilespmem:s15+$0xFFFFFFF0] =	vst v2  }
0x18: {  	[tilespmem:s15+$0x0] =	vst v2  }
0x19: {  	s16 =	simm.s32 $0x0;
	s14 =	simm.s32 $0x40;
	v4 =	vimm.f32 $0.0e+00;
	[tilespmem:s15+$0x10] =	vst v2  }
.LBB2_2:
0x1a: {  	s16 =	sadd.s32 $0x80, s16;
	[tilespmem:s15+$0x20] =	vst v4;
	v4 =	vimm.f32 $0.0e+00;
	s15 =	sadd.s32 $0x80, s15  }
0x1b: {  	[tilespmem:s15+$0x30] =	vst v4;
	p0 =	slt.u32 s16, $0xF80  }
0x1c: {  	[tilespmem:s15+$0xFFFFFFC0] =	vst v4  }
.Ltmp0:
0x1d: {  	[tilespmem:s15+$0xFFFFFFD0] =	vst v4;
	(pc) =	sbr.rel @p0 .LBB2_2-.Ltmp0, $4  }
0x1e: {  	[tilespmem:s15+$0xFFFFFFE0] =	vst v4  }
0x1f: {  	[tilespmem:s15+$0xFFFFFFF0] =	vst v4  }
0x20: {  	[tilespmem:s15+$0x0] =	vst v4  }
0x21: {  	[tilespmem:s15+$0x10] =	vst v4  }
0x22: {  	[tilespmem:s15+$0x20] =	vst v4  }
0x23: {  	v5 =	vld [tilespmem:s14+$0xFFFFFFC0];
	_ =	sdelay $0x1  }
0x24: {  	v6 =	vld [tilespmem:s14+$0xFFFFFFD0];
	_ =	sdelay $0x1  }
0x25: {  	v7 =	vld [tilespmem:s14+$0xFFFFFFE0]  }
0x26: {  	v5 =	vmax.f32 v5, $0.0e+00  }
0x27: {  	v8 =	vshra.s32 v5, $0x13;
	v4 =	vadd.f32 v5, v4;
	v5 =	vld [tilespmem:s14+$0xFFFFFFF0]  }
0x28: {  	v6 =	vmax.f32 v6, $0.0e+00;
	v8 =	vand.u32 $0xFFFFFFF0, v8  }
0x29: {  	v10 =	vld [tilespmem:s14+$0x0];
	v9 =	vor.u32 v0, v8;
	v8 =	vshra.s32 v6, $0x13;
	v4 =	vadd.f32 v6, v4  }
0x2a: {  	v7 =	vmax.f32 v7, $0.0e+00;
	v6 =	vand.u32 $0xFFFFFFF0, v8  }
0x2b: {  	v12 =	vld [tilespmem:s14+$0x10];
	v11 =	vor.u32 v0, v6;
	v4 =	vadd.f32 v7, v4;
	v6 =	vshra.s32 v7, $0x13  }
0x2c: {  	v5 =	vmax.f32 v5, $0.0e+00;
	v6 =	vand.u32 $0xFFFFFFF0, v6  }
0x2d: {  	v8 =	vld [tilespmem:s14+$0x20];
	v4 =	vadd.f32 v5, v4;
	v6 =	vor.u32 v0, v6;
	v5 =	vshra.s32 v5, $0x13  }
0x2e: {  	v7 =	vmax.f32 v10, $0.0e+00;
	[tilespmem:v9+s9+$0x0] =	vst.idx.add.f32.msk $0xffff, v1;
	v5 =	vand.u32 $0xFFFFFFF0, v5  }
0x2f: {  	v10 =	vshra.s32 v7, $0x13;
	v9 =	vld [tilespmem:s14+$0x30];
	v4 =	vadd.f32 v7, v4;
	v7 =	vor.u32 v0, v5  }
0x30: {  	s15 =	simm.s32 $0x0;
	s16 =	simm.s32 $0xC0;
	v10 =	vand.u32 $0xFFFFFFF0, v10;
	v5 =	vmax.f32 v12, $0.0e+00;
	[tilespmem:v11+s9+$0x0] =	vst.idx.add.f32.msk $0xffff, v1  }
.LBB2_4:
0x31: {  	v11 =	vld [tilespmem:s16+$0xFFFFFFC0];
	s15 =	sadd.s32 $0x80, s15;
	v10 =	vor.u32 v0, v10;
	v12 =	vshra.s32 v5, $0x13;
	v4 =	vadd.f32 v5, v4  }
0x32: {  	p0 =	slt.u32 s15, $0x7F80;
	[tilespmem:v6+s9+$0x0] =	vst.idx.add.f32.msk $0xffff, v1;
	v5 =	vand.u32 $0xFFFFFFF0, v12;
	v6 =	vmax.f32 v8, $0.0e+00  }
0x33: {  	v8 =	vld [tilespmem:s16+$0xFFFFFFD0];
	v5 =	vor.u32 v0, v5;
	v12 =	vshra.s32 v6, $0x13;
	v4 =	vadd.f32 v6, v4  }
0x34: {  	[tilespmem:v7+s9+$0x0] =	vst.idx.add.f32.msk $0xffff, v1;
	v6 =	vand.u32 $0xFFFFFFF0, v12;
	v7 =	vmax.f32 v9, $0.0e+00  }
0x35: {  	s14 =	simm.s32 $0x80A0;
	v9 =	vld [tilespmem:s16+$0xFFFFFFE0];
	v6 =	vor.u32 v0, v6;
	v12 =	vshra.s32 v7, $0x13;
	v4 =	vadd.f32 v7, v4  }
0x36: {  	v7 =	vmax.f32 v11, $0.0e+00;
	[tilespmem:v10+s9+$0x0] =	vst.idx.add.f32.msk $0xffff, v1;
	v10 =	vand.u32 $0xFFFFFFF0, v12  }
0x37: {  	v11 =	vshra.s32 v7, $0x13;
	v4 =	vadd.f32 v7, v4;
	v7 =	vld [tilespmem:s16+$0xFFFFFFF0];
	v10 =	vor.u32 v0, v10  }
0x38: {  	v11 =	vand.u32 $0xFFFFFFF0, v11;
	v8 =	vmax.f32 v8, $0.0e+00;
	[tilespmem:v5+s9+$0x0] =	vst.idx.add.f32.msk $0xffff, v1  }
0x39: {  	v5 =	vor.u32 v0, v11;
	v11 =	vshra.s32 v8, $0x13;
	v4 =	vadd.f32 v8, v4;
	v12 =	vld [tilespmem:s16+$0x0]  }
0x3a: {  	v8 =	vand.u32 $0xFFFFFFF0, v11;
	v9 =	vmax.f32 v9, $0.0e+00;
	[tilespmem:v6+s9+$0x0] =	vst.idx.add.f32.msk $0xffff, v1  }
0x3b: {  	v11 =	vor.u32 v0, v8;
	v6 =	vshra.s32 v9, $0x13;
	v4 =	vadd.f32 v9, v4;
	v13 =	vld [tilespmem:s16+$0x10]  }
.Ltmp1:
0x3c: {  	v6 =	vand.u32 $0xFFFFFFF0, v6;
	v7 =	vmax.f32 v7, $0.0e+00;
	[tilespmem:v10+s9+$0x0] =	vst.idx.add.f32.msk $0xffff, v1;
	(pc) =	sbr.rel @p0 .LBB2_4-.Ltmp1, $4  }
0x3d: {  	v6 =	vor.u32 v0, v6;
	v9 =	vshra.s32 v7, $0x13;
	v4 =	vadd.f32 v7, v4;
	v8 =	vld [tilespmem:s16+$0x20]  }
0x3e: {  	[tilespmem:v5+s9+$0x0] =	vst.idx.add.f32.msk $0xffff, v1;
	v5 =	vand.u32 $0xFFFFFFF0, v9;
	v9 =	vmax.f32 v12, $0.0e+00  }
0x3f: {  	v7 =	vor.u32 v0, v5;
	v5 =	vshra.s32 v9, $0x13;
	v4 =	vadd.f32 v9, v4;
	v9 =	vld [tilespmem:s16+$0x30]  }
0x40: {  	s16 =	sadd.s32 $0x80, s16;
	[tilespmem:v11+s9+$0x0] =	vst.idx.add.f32.msk $0xffff, v1;
	v10 =	vand.u32 $0xFFFFFFF0, v5;
	v5 =	vmax.f32 v13, $0.0e+00  }
0x41: {  	_ =	sdelay $0x1  }
0x42: {  	v10 =	vor.u32 v0, v10;
	v11 =	vshra.s32 v5, $0x13;
	v8 =	vmax.f32 v8, $0.0e+00  }
0x43: {  	v11 =	vand.u32 $0xFFFFFFF0, v11;
	v12 =	vshra.s32 v8, $0x13;
	v9 =	vmax.f32 v9, $0.0e+00  }
0x44: {  	v11 =	vor.u32 v0, v11;
	v12 =	vand.u32 $0xFFFFFFF0, v12;
	v13 =	vshra.s32 v9, $0x13  }
0x45: {  	v12 =	vor.u32 v0, v12;
	v13 =	vand.u32 $0xFFFFFFF0, v13  }
0x46: {  	[tilespmem:v6+s9+$0x0] =	vst.idx.add.f32.msk $0xffff, v1;
	v6 =	vor.u32 v0, v13  }
0x47: {  	[tilespmem:v7+s9+$0x0] =	vst.idx.add.f32.msk $0xffff, v1  }
0x48: {  	[tilespmem:v10+s9+$0x0] =	vst.idx.add.f32.msk $0xffff, v1  }
0x49: {  	[tilespmem:v11+s9+$0x0] =	vst.idx.add.f32.msk $0xffff, v1  }
0x4a: {  	[tilespmem:v12+s9+$0x0] =	vst.idx.add.f32.msk $0xffff, v1  }
0x4b: {  	[tilespmem:v6+s9+$0x0] =	vst.idx.add.f32.msk $0xffff, v1  }
0x4c: {  	v6 =	vld [tilespmem:s14+$0x10];
	_ =	sdelay $0x2  }
0x4d: {  	v7 =	vld [tilespmem:s14+$0xFFFFFFE0];
	_ =	sdelay $0x1  }
0x4e: {  	(xrf2) =	vadd.scan.msk.f32 $0xffff, v6  }
0x4f: {  	v10 =	vld [tilespmem:s14+$0xFFFFFFF0];
	_ =	sdelay $0x1  }
0x50: {  	(xrf2) =	vadd.scan.msk.f32 $0xffff, v7;
	_ =	sdelay $0x1  }
0x51: {  	s15 =	simm.s32 $0x0;
	s30 =	simm.s32 $0x3;
	v6 =	vld [tilespmem:s14+$0x0]  }
0x52: {  	v7 =	vmov s15;
	(xrf2) =	vadd.scan.msk.f32 $0xffff, v10;
	v10 =	vmov s30  }
0x53: {  	s15 =	simm.s32 $0x80E0;
	v7 =	vand.u32 $0xFFFFFFFC, v7  }
0x54: {  	v12 =	vld [tilespmem:s15+$0x10];
	v7 =	vbroadcast v7, $0x0;
	_ =	sdelay $0x1  }
0x55: {  	s31 =	simm.s32 $0x1;
	(xrf2) =	vadd.scan.msk.f32 $0xffff, v6;
	v61, _, _ =	vpop (xrf2)  }
0x56: {  	v6 =	vmov s31;
	[tilespmem:v10+s10+$0x0] =	vst.idx.msk vm0, v61;
	v10 =	vld [tilespmem:s15+$0xFFFFFFE0]  }
0x57: {  	s16 =	simm.s32 $0x2;
	v6 =	vand.u32 $0xFFFFFFFD, v6  }
0x58: {  	v11 =	vmov s16;
	v6 =	vbroadcast v6, $0x0;
	v62, _, _ =	vpop (xrf2);
	(xrf2) =	vadd.scan.msk.f32 $0xffff, v12  }
0x59: {  	v11 =	vand.u32 $0xFFFFFFFE, v11;
	[tilespmem:v7+s10+$0x0] =	vst.idx.msk vm0, v62;
	v7 =	vld [tilespmem:s15+$0xFFFFFFF0]  }
0x5a: {  	v11 =	vbroadcast v11, $0x0  }
0x5b: {  	v4 =	vadd.f32 v5, v4;
	(xrf2) =	vadd.scan.msk.f32 $0xffff, v10  }
0x5c: {  	v5 =	vld [tilespmem:s15+$0x0];
	[tilespmem:s14+$0x10] =	vst v2  }
0x5d: {  	s18 =	simm.s32 $0x4;
	s19 =	simm.s32 $0x7;
	v4 =	vadd.f32 v8, v4;
	v8, _, _ =	vpop (xrf2);
	[tilespmem:s14+$0xFFFFFFE0] =	vst v2  }
0x5e: {  	s16 =	simm.s32 $0x8120;
	[tilespmem:v6+s10+$0x0] =	vst.idx.msk vm0, v8;
	v6 =	vmov s18;
	v8 =	vmov s19;
	(xrf2) =	vadd.scan.msk.f32 $0xffff, v7  }
0x5f: {  	v4 =	vadd.f32 v9, v4;
	v9 =	vld [tilespmem:s16+$0x10];
	[tilespmem:s14+$0xFFFFFFF0] =	vst v2;
	v63, _, _ =	vpop (xrf2);
	v10 =	vand.u32 $0xFFFFFFFC, v6  }
0x60: {  	s17 =	simm.s32 $0x8;
	s20 =	simm.s32 $0x5;
	s19 =	simm.s32 $0xC;
	v6 =	vld [tilespmem:s16+$0xFFFFFFF0];
	[tilespmem:v11+s10+$0x0] =	vst.idx.msk vm0, v63;
	v7 =	vbroadcast v10, $0x0  }
.LBB2_6:
0x61: {  	p0 =	slt.u32 s19, $0xFC;
	v10 =	vmov s20;
	(xrf2) =	vadd.scan.msk.f32 $0xffff, v5;
	v5 =	vld [tilespmem:s16+$0x0];
	[tilespmem:s14+$0x0] =	vst v2;
	s14 =	smov.u32 s15;
	s15 =	smov.u32 s16  }
0x62: {  	v11 =	vld [tilespmem:s16+$0xFFFFFFE0];
	v10 =	vand.u32 $0xFFFFFFFD, v10;
	v12, _, _ =	vpop (xrf2)  }
0x63: {  	s20 =	sadd.s32 $0x2, s18;
	s18 =	smov.u32 s17;
	s17 =	smov.u32 s19;
	v10 =	vbroadcast v10, $0x0;
	[tilespmem:v8+s10+$0x0] =	vst.idx.msk vm0, v12  }
0x64: {  	v8 =	vmov s20;
	(xrf2) =	vadd.scan.msk.f32 $0xffff, v9;
	[tilespmem:s14+$0x10] =	vst v2  }
0x65: {  	v8 =	vand.u32 $0xFFFFFFFE, v8;
	v9, _, _ =	vpop (xrf2)  }
0x66: {  	v12 =	vbroadcast v8, $0x0;
	[tilespmem:v7+s10+$0x0] =	vst.idx.msk vm0, v9  }
0x67: {  	(xrf2) =	vadd.scan.msk.f32 $0xffff, v11;
	[tilespmem:s14+$0xFFFFFFE0] =	vst v2  }
.Ltmp2:
0x68: {  	v7, _, _ =	vpop (xrf2);
	(pc) =	sbr.rel @p0 .LBB2_6-.Ltmp2, $4  }
0x69: {  	s20 =	sadd.s32 $0x3, s18;
	[tilespmem:v10+s10+$0x0] =	vst.idx.msk vm0, v7  }
0x6a: {  	s16 =	sadd.s32 $0x40, s16;
	v8 =	vmov s20;
	v7 =	vmov s18;
	(xrf2) =	vadd.scan.msk.f32 $0xffff, v6;
	[tilespmem:s14+$0xFFFFFFF0] =	vst v2  }
0x6b: {  	v7 =	vand.u32 $0xFFFFFFFC, v7;
	v9 =	vld [tilespmem:s16+$0x10];
	v10, _, _ =	vpop (xrf2)  }
0x6c: {  	s19 =	sadd.s32 $0x4, s19;
	s20 =	sadd.s32 $0x1, s18;
	v7 =	vbroadcast v7, $0x0;
	v6 =	vld [tilespmem:s16+$0xFFFFFFF0];
	[tilespmem:v12+s10+$0x0] =	vst.idx.msk vm0, v10  }
0x6d: {  	v10 =	vld [tilespmem:s16+$0xFFFFFFE0]  }
0x6e: {  	(xrf2) =	vadd.scan.msk.f32 $0xffff, v5  }
0x6f: {  	v5 =	vmov s20  }
0x70: {  	s18 =	sadd.s32 $0x2, s18;
	v5 =	vand.u32 $0xFFFFFFFD, v5;
	(xrf2) =	vadd.scan.msk.f32 $0xffff, v9  }
0x71: {  	v61 =	vld [tilespmem:s16+$0x0];
	v11 =	vmov s18;
	v5 =	vbroadcast v5, $0x0  }
0x72: {  	[tilespmem:s14+$0x0] =	vst v2;
	v12, _, _ =	vpop (xrf2);
	v11 =	vand.u32 $0xFFFFFFFE, v11;
	(xrf2) =	vadd.scan.msk.f32 $0xffff, v10  }
0x73: {  	[tilespmem:v8+s10+$0x0] =	vst.idx.msk vm0, v12;
	v8 =	vbroadcast v11, $0x0  }
0x74: {  	[tilespmem:s15+$0x10] =	vst v2;
	v62, _, _ =	vpop (xrf2);
	(xrf2) =	vadd.scan.msk.f32 $0xffff, v6  }
0x75: {  	s29 =	sadd.s32 $0x3, s17;
	[tilespmem:v7+s10+$0x0] =	vst.idx.msk vm0, v62;
	v6 =	vmov s17  }
0x76: {  	s30 =	sadd.s32 $0x1, s17;
	v63 =	vmov s29;
	[tilespmem:s15+$0xFFFFFFE0] =	vst v2;
	v7, _, _ =	vpop (xrf2);
	v6 =	vand.u32 $0xFFFFFFFC, v6;
	(xrf2) =	vadd.scan.msk.f32 $0xffff, v61  }
0x77: {  	[tilespmem:v5+s10+$0x0] =	vst.idx.msk vm0, v7;
	v5 =	vbroadcast v6, $0x0;
	v6 =	vmov s30  }
0x78: {  	s31 =	sadd.s32 $0x2, s17;
	[tilespmem:s15+$0xFFFFFFF0] =	vst v2;
	v6 =	vand.u32 $0xFFFFFFFD, v6;
	v7, _, _ =	vpop (xrf2)  }
0x79: {  	v6 =	vbroadcast v6, $0x0;
	[tilespmem:v8+s10+$0x0] =	vst.idx.msk vm0, v7;
	v7 =	vmov s31  }
0x7a: {  	[tilespmem:s15+$0x0] =	vst v2;
	v7 =	vand.u32 $0xFFFFFFFE, v7;
	v8, _, _ =	vpop (xrf2)  }
0x7b: {  	v7 =	vbroadcast v7, $0x0;
	[tilespmem:v63+s10+$0x0] =	vst.idx.msk vm0, v8  }
0x7c: {  	[tilespmem:s16+$0x10] =	vst v2;
	v8, _, _ =	vpop (xrf2)  }
0x7d: {  	[tilespmem:v5+s10+$0x0] =	vst.idx.msk vm0, v8  }
0x7e: {  	p5 =	por $0x1, $0x1;
	v5, _, _ =	vpop (xrf2);
	[tilespmem:s16+$0xFFFFFFE0] =	vst v2  }
.Ltmp3:
0x7f: {  	[tilespmem:v6+s10+$0x0] =	vst.idx.msk vm0, v5;
	(pc) =	sbr.rel @!p5 .LBB2_8-.Ltmp3, $4  }
0x80: {  	v5, _, _ =	vpop (xrf2);
	[tilespmem:s16+$0xFFFFFFF0] =	vst v2  }
0x81: {  	s14 =	simm.f32 $0.0e+00;
	[tilespmem:v7+s10+$0x0] =	vst.idx.msk vm0, v5  }
0x82: {  	p0 =	por $0x0, $0x0;
	p1 =	por $0x0, $0x0;
	s15 =	simm.s32 $0xF0;
	[tilespmem:s16+$0x0] =	vst v2  }
0x83: {  	p2 =	por $0x0, $0x0;
	p3 =	por $0x0, $0x0;
	p4 =	por $0x0, $0x0;
	v5 =	vimm.s32 $0x0;
	v7 =	vld [tilespmem:s15+$0x9080]  }
0x84: {  	p5 =	por $0x1, $0x1  }
.Ltmp4:
0x85: {  	_ = 	snop;
	(pc) =	sbr.rel @!p5 .LBB2_10-.Ltmp4, $3  }
0x86: {  	_ =	sdelay $0x1  }
0x87: {  	s18 =	simm.s32 $0xE0  }
0x88: {  	p0 =	por $0x1, $0x1;
	v11 =	vld [tilespmem:s18+$0x9080];
	(xrf2) =	vadd.scan.msk.f32 $0xffff, v7  }
0x89: {  	_ =	sdelay $0x4  }
0x8a: {  	p5 =	por $0x1, $0x1  }
.Ltmp5:
0x8b: {  	_ = 	snop;
	(pc) =	sbr.rel @!p5 .LBB2_12-.Ltmp5, $3  }
0x8c: {  	_ =	sdelay $0x1  }
0x8d: {  	s21 =	simm.s32 $0xD0;
	v10, _, _ =	vpop (xrf2)  }
0x8e: {  	p1 =	por $0x1, $0x1;
	v14 =	vld [tilespmem:s21+$0x9080];
	(xrf2) =	vadd.scan.msk.f32 $0xffff, v11;
	v13 =	vbroadcast v10, $0xF;
	(v2sf) =	vpush v10, $0xF  }
0x8f: {  	_ =	sdelay $0x8  }
0x90: {  	v12 =	vsub.f32 v13, v10;
	v10, _, _ =	vpop (xrf2)  }
0x91: {  	(v2sf) =	vpush v10, $0xF;
	_ =	sdelay $0x6  }
0x92: {  	p5 =	por $0x1, $0x1  }
.Ltmp6:
0x93: {  	s16 =	simm.s32 $0xC0;
	(pc) =	sbr.rel @!p5 .LBB2_14-.Ltmp6, $2  }
0x94: {  	v9 =	vld [tilespmem:s16+$0x9080];
	_ =	sdelay $0x2  }
0x95: {  	p2 =	por $0x1, $0x1;
	(xrf2) =	vadd.scan.msk.f32 $0xffff, v14;
	v13 =	vbroadcast v10, $0xF  }
0x96: {  	_ =	sdelay $0x8  }
0x97: {  	v16, _, _ =	vpop (xrf2)  }
0x98: {  	(v2sf) =	vpush v16, $0xF;
	_ =	sdelay $0x3  }
0x99: {  	p5 =	por $0x1, $0x1  }
.Ltmp7:
0x9a: {  	_ = 	snop;
	(pc) =	sbr.rel @!p5 .LBB2_16-.Ltmp7, $3  }
0x9b: {  	s20 =	simm.s32 $0xB0  }
0x9c: {  	v25 =	vld [tilespmem:s20+$0x9080];
	_ =	sdelay $0x1  }
0x9d: {  	v19 =	vadd.f32 s14, v12;
	p3 =	por $0x1, $0x1;
	v22 =	vsub.f32 v13, v10;
	(xrf2) =	vadd.scan.msk.f32 $0xffff, v9;
	v18 =	vbroadcast v16, $0xF  }
0x9e: {  	_ =	sdelay $0x8  }
0x9f: {  	v10, _, _ =	vpop (xrf2)  }
0xa0: {  	(v2sf) =	vpush v10, $0xF;
	_ =	sdelay $0x2  }
0xa1: {  	v6 =	vadd.f32 v19, v7  }
0xa2: {  	s24 =	simm.s32 $0xA0;
	p5 =	por $0x1, $0x1;
	(xrf2) =	vadd.scan.msk.f32 $0xffff, v25  }
.Ltmp8:
0xa3: {  	vm2 =	vge.f32 v6, $3.277000000e+03;
	v6 =	vld [tilespmem:s24+$0x9080];
	(pc) =	sbr.rel @!p5 .LBB2_18-.Ltmp8, $4  }
0xa4: {  	s17 =	spop (v2sf)  }
0xa5: {  	s23 =	sadd.f32 s17, s14  }
0xa6: {  	s22 =	simm.s32 $0x240;
	v15 =	vimm.s32 $0x0;
	v24 =	vsub.f32 v18, v16  }
0xa7: {  	p4 =	por $0x1, $0x1;
	v21 =	vmovc v11;
	v20 =	vmovc v14;
	s19 =	simm.s32 $0xD0;
	s17 =	simm.s32 $0xE0;
	[tilespmem:s15+$0x9180] =	vst v19;
	v8 =	vadd.f32 s23, v22;
	v17 =	vsel vm2, $0x1, v3;
	v13 =	vbroadcast v10, $0xF  }
.LBB2_19:
0xa8: {  	s25 =	sshra.s32 s22, $0x2;
	p5 =	sne.s32 s22, $0x0;
	s22 =	sadd.s32 $0xFFFFFFC0, s22;
	(xrf2) =	vadd.scan.msk.f32 $0xffff, v6;
	v15 =	vadd.s32 v17, v15;
	v17 =	vmov v6  }
.Ltmp9:
0xa9: {  	v6 =	vld [tilespmem:s25+$0x9080];
	v23 =	vsub.f32 v13, v10;
	[tilespmem:s17+$0x9180] =	vst v8;
	v8 =	vadd.f32 v8, v21;
	v21 =	vmovc v20;
	v20 =	vmov v9;
	s17 =	smov.u32 s19;
	s19 =	smov.u32 s16;
	(pc) =	sbr.rel @p5 .LBB2_19-.Ltmp9, $4  }
0xaa: {  	v9 =	vmov v25;
	v25 =	vmov v17;
	s16 =	smov.u32 s20;
	s20 =	smov.u32 s24;
	s26 =	spop (v2sf)  }
0xab: {  	s24 =	smov.u32 s25;
	vm2 =	vge.f32 v8, $3.277000000e+03;
	s23 =	sadd.f32 s26, s23  }
0xac: {  	v10, _, _ =	vpop (xrf2);
	v17 =	vsel vm2, $0x1, v3  }
0xad: {  	v13 =	vbroadcast v10, $0xF;
	(v2sf) =	vpush v10, $0xF;
	v8 =	vadd.f32 s23, v24;
	v24 =	vmovc v23  }
0xae: {  	v23 =	vmov v9;
	s22 =	smov.u32 s16;
	v9 =	vmov v25;
	s16 =	smov.u32 s24  }
.LBB2_21:
0xaf: {  	_ =	sdelay $0x2  }
0xb0: {  	v25, _, _ =	vpop @p0 (xrf2)  }
0xb1: {  	(v2sf) =	vpush @p0 v25, $0xF;
	_ =	sdelay $0x2  }
0xb2: {  	s24 =	spop @p3 (v2sf)  }
0xb3: {  	s23 =	sadd.f32 @p3 s24, s23;
	(xrf2) =	vadd.scan.msk.f32 $0xffff, v6  }
0xb4: {  	v21 =	vadd.f32 @p3 v8, v21;
	s24 =	simm.f32 $0.0e+00  }
0xb5: {  	v15 =	vadd.s32 @p4 v17, v15;
	s24 =	smov.u32 @p3 s23  }
0xb6: {  	vm2 =	vge.f32 @p3 v21, $3.277000000e+03;
	v17 =	vbroadcast @p0 v25, $0xF;
	v21 =	vadd.f32 @p2 s24, v24  }
0xb7: {  	v10 =	vsub.f32 @p1 v13, v10;
	v13 =	vmov @p2 v20;
	s23 =	spop @p2 (v2sf)  }
0xb8: {  	v13 =	vpsel p2, v13, v7;
	s23 =	sadd.f32 @p2 s23, s24;
	v17 =	vpsel p0, v17, v18;
	v18 =	vpsel p2, v21, v19  }
0xb9: {  	v15 =	vpsel p4, v15, v5;
	v16 =	vpsel p0, v25, v16;
	s24 =	simm.f32 $0.0e+00;
	v13 =	vadd.f32 @p2 v18, v13  }
0xba: {  	v11 =	vpsel p1, v23, v11;
	v20 =	vsel @p3 vm2, $0x1, v3;
	s24 =	smov.u32 @p2 s23;
	v16 =	vsub.f32 @p0 v17, v16;
	s23 =	spop @p1 (v2sf)  }
0xbb: {  	v9 =	vpsel p0, v9, v14;
	v10 =	vpsel p1, v10, v22;
	v20 =	vpsel p3, v20, v0;
	s23 =	sadd.f32 @p1 s23, s24  }
0xbc: {  	v11 =	vpsel p1, v11, v0;
	v14 =	vadd.s32 @p3 v20, v15;
	v10 =	vadd.f32 @p1 s24, v10;
	v15 =	vmovc @p0 v16;
	s24 =	simm.f32 $0.0e+00  }
0xbd: {  	v7 =	vpsel p0, v9, v7;
	vm2 =	vge.f32 @p2 v13, $3.277000000e+03;
	v12 =	vpsel p0, v15, v12;
	v13, _, _ =	vpop (xrf2);
	s24 =	smov.u32 @p1 s23  }
0xbe: {  	v10 =	vpsel p1, v10, v0;
	v61 =	vbroadcast v13, $0xF;
	v9 =	vadd.f32 @p0 s24, v12;
	s23 =	spop @p0 (v2sf)  }
0xbf: {  	v7 =	vpsel p0, v7, v0;
	v14 =	vpsel p3, v14, v5;
	v11 =	vadd.f32 @p1 v10, v11;
	s23 =	sadd.f32 @p0 s23, s24  }
0xc0: {  	v15 =	vsub.f32 v61, v13;
	v12 =	vsel @p2 vm2, $0x1, v3;
	v9 =	vpsel p0, v9, v0  }
0xc1: {  	vm2 =	vge.f32 @p1 v11, $3.277000000e+03;
	v12 =	vpsel p2, v12, v0;
	v7 =	vadd.f32 @p0 v9, v7;
	s14 =	smov.u32 @p0 s23  }
0xc2: {  	v11 =	vadd.s32 @p2 v12, v14;
	v12 =	vsel @p1 vm2, $0x1, v3;
	v14 =	vadd.f32 s14, v15  }
0xc3: {  	v11 =	vpsel p2, v11, v5;
	v12 =	vpsel p1, v12, v0;
	vm2 =	vge.f32 @p0 v7, $3.277000000e+03  }
0xc4: {  	v7 =	vadd.s32 @p1 v12, v11;
	v11 =	vsel @p0 vm2, $0x1, v3;
	v6 =	vadd.f32 v14, v6  }
0xc5: {  	v7 =	vpsel p1, v7, v5;
	v11 =	vpsel p0, v11, v0  }
0xc6: {  	v7 =	vadd.s32 @p0 v11, v7;
	vm2 =	vge.f32 v6, $3.277000000e+03  }
0xc7: {  	v5 =	vpsel p0, v7, v5;
	v6 =	vsel vm2, $0x1, v3  }
0xc8: {  	v5 =	vadd.s32 v6, v5  }
0xc9: {  	(xrf0) =	vadd.scan.msk.s32 $0xffff, v5;
	_ =	sdelay $0x5  }
0xca: {  	(v2sf) =	vpush v13, $0xF;
	v5, _, _ =	vpop (xrf0)  }
0xcb: {  	(v2sf) =	vpush v5, $0xF;
	_ =	sdelay $0x3  }
0xcc: {  	s14 =	smov.u32 @p0 s20  }
0xcd: {  	s20 =	smov.u32 @p1 s22;
	s21 =	smov.u32 @p0 s14  }
0xce: {  	s14 =	smov.u32 @p2 s19;
	s19 =	smov.u32 s15;
	s18 =	smov.u32 @p1 s20  }
0xcf: {  	[tilespmem:s17+$0x9180] =	vst @p3 v8;
	s20 =	smov.u32 @p0 s21;
	s19 =	smov.u32 @p2 s14;
	s14 =	smov.u32 @p1 s18  }
0xd0: {  	s15 =	smov.u32 @p0 s20;
	[tilespmem:s19+$0x9180] =	vst @p2 v18;
	s14 =	smov.u32 @p1 s14  }
0xd1: {  	[tilespmem:s14+$0x9180] =	vst @p1 v10;
	s14 =	smov.u32 @p0 s15  }
0xd2: {  	[tilespmem:s14+$0x9180] =	vst @p0 v9  }
0xd3: {  	s30 =	simm.s32 $0x40;
	[tilespmem:s16+$0x9180] =	vst v14  }
0xd4: {  	v5 =	vld [tilespmem:s30+$0xFFFFFFC0]  }
0xd5: {  	v7 =	vld [tilespmem:s30+$0xFFFFFFF0]  }
0xd6: {  	s31 =	spop (v2sf);
	v8 =	vld [tilespmem:s30+$0x30]  }
0xd7: {  	s14 =	spop (v2sf)  }
0xd8: {  	s14 =	sadd.s32 $0xFFFFFFFF, s14  }
0xd9: {  	v11 =	vld [tilespmem:s30+$0x0];
	v9 =	vshra.s32 v5, $0x17;
	v5 =	vshrl.u32 v5, $0xB;
	v6 =	vmov s14  }
0xda: {  	v13 =	vld [tilespmem:s30+$0xFFFFFFE0];
	v10 =	vshra.s32 v7, $0x17;
	v5 =	vand.u32 $0xFF0, v5;
	vm2 =	veq.s32 v9, v6  }
0xdb: {  	v12 =	vshrl.u32 v8, $0xB;
	v14 =	vor.u32 v0, v5;
	v9 =	vshrl.u32 v7, $0xB  }
0xdc: {  	v15 =	vshra.s32 v8, $0x17;
	v8 =	vld [tilespmem:s30+$0xFFFFFFD0];
	vm3 =	veq.s32 v10, v6;
	v9 =	vand.u32 $0xFF0, v9  }
0xdd: {  	v62 =	vand.u32 $0xFF0, v12;
	v7 =	vld [tilespmem:s30+$0x20];
	vm4 =	veq.s32 v15, v6;
	v10 =	vor.u32 v0, v9  }
0xde: {  	v63 =	vshrl.u32 v11, $0xB;
	v15 =	vshra.s32 v11, $0x17;
	v11 =	vld [tilespmem:s30+$0x10];
	v9 =	vor.u32 v0, v62  }
0xdf: {  	v12 =	vshrl.u32 v13, $0xB;
	v5 =	vld.idx.msk [tilespmem:v6+s11+$0x0], $0xffff  }
0xe0: {  	s15 =	simm.s32 $0x0;
	s16 =	simm.s32 $0xC0;
	v13 =	vshra.s32 v13, $0x17;
	[tilespmem:v14+s9+$0x0] =	vst.idx.add.f32.msk vm2, v1;
	vm2 =	veq.s32 v15, v6;
	v14 =	vand.u32 $0xFF0, v63  }
.LBB2_22:
0xe1: {  	v15 =	vld [tilespmem:s16+$0xFFFFFFF0];
	s15 =	sadd.s32 $0x80, s15;
	vm7 =	veq.s32 v13, v6;
	v12 =	vand.u32 $0xFF0, v12;
	v13 =	vor.u32 v0, v14  }
0xe2: {  	v14 =	vshra.s32 v8, $0x17;
	p0 =	slt.u32 s15, $0x7F80;
	v12 =	vor.u32 v0, v12;
	[tilespmem:v10+s9+$0x0] =	vst.idx.add.f32.msk vm3, v1;
	v10 =	vshra.s32 v7, $0x17  }
0xe3: {  	vm6 =	veq.s32 v14, v6;
	v7 =	vshrl.u32 v7, $0xB;
	vm5 =	veq.s32 v10, v6;
	[tilespmem:v9+s9+$0x0] =	vst.idx.add.f32.msk vm4, v1  }
0xe4: {  	v8 =	vshrl.u32 v8, $0xB;
	v7 =	vand.u32 $0xFF0, v7;
	v9 =	vld [tilespmem:s16+$0xFFFFFFC0];
	v10 =	vshrl.u32 v11, $0xB  }
0xe5: {  	v8 =	vand.u32 $0xFF0, v8;
	v11 =	vshra.s32 v11, $0x17;
	v16 =	vor.u32 v0, v7;
	v14 =	vld [tilespmem:s16+$0x30]  }
0xe6: {  	vm8 =	veq.s32 v11, v6;
	v10 =	vand.u32 $0xFF0, v10;
	v17 =	vshrl.u32 v15, $0xB;
	v7 =	vld [tilespmem:s16+$0x20]  }
0xe7: {  	v18 =	vor.u32 v0, v8;
	v19 =	vor.u32 v0, v10;
	v11 =	vld [tilespmem:s16+$0xFFFFFFE0]  }
0xe8: {  	[tilespmem:v12+s9+$0x0] =	vst.idx.add.f32.msk vm7, v1  }
0xe9: {  	v8 =	vshra.s32 v9, $0x17;
	v9 =	vshrl.u32 v9, $0xB;
	[tilespmem:v13+s9+$0x0] =	vst.idx.add.f32.msk vm2, v1  }
0xea: {  	vm2 =	veq.s32 v8, v6;
	v8 =	vand.u32 $0xFF0, v9;
	v9 =	vshra.s32 v15, $0x17;
	v15 =	vld [tilespmem:s16+$0x0]  }
0xeb: {  	v10 =	vand.u32 $0xFF0, v17;
	v12 =	vshrl.u32 v14, $0xB;
	v20 =	vor.u32 v0, v8;
	v8 =	vld [tilespmem:s16+$0xFFFFFFD0]  }
.Ltmp10:
0xec: {  	vm3 =	veq.s32 v9, v6;
	v9 =	vshra.s32 v14, $0x17;
	v13 =	vand.u32 $0xFF0, v12;
	[tilespmem:v18+s9+$0x0] =	vst.idx.add.f32.msk vm6, v1;
	(pc) =	sbr.rel @p0 .LBB2_22-.Ltmp10, $4  }
0xed: {  	v10 =	vor.u32 v0, v10;
	vm4 =	veq.s32 v9, v6;
	[tilespmem:v16+s9+$0x0] =	vst.idx.add.f32.msk vm5, v1  }
0xee: {  	v12 =	vshrl.u32 v11, $0xB;
	v9 =	vor.u32 v0, v13;
	[tilespmem:v19+s9+$0x0] =	vst.idx.add.f32.msk vm8, v1  }
0xef: {  	v13 =	vshra.s32 v11, $0x17;
	v14 =	vshra.s32 v15, $0x17;
	v15 =	vshrl.u32 v15, $0xB;
	v11 =	vld [tilespmem:s16+$0x10]  }
0xf0: {  	s16 =	sadd.s32 $0x80, s16;
	[tilespmem:v20+s9+$0x0] =	vst.idx.add.f32.msk vm2, v1;
	vm2 =	veq.s32 v14, v6;
	v14 =	vand.u32 $0xFF0, v15  }
0xf1: {  	vm5 =	veq.s32 v13, v6;
	v12 =	vand.u32 $0xFF0, v12;
	v59 =	vshra.s32 v8, $0x17  }
0xf2: {  	v14 =	vor.u32 v0, v14;
	v60 =	vshra.s32 v7, $0x17;
	v8 =	vshrl.u32 v8, $0xB  }
0xf3: {  	v7 =	vshrl.u32 v7, $0xB;
	vm6 =	veq.s32 v59, v6;
	v12 =	vor.u32 v0, v12  }
0xf4: {  	vm7 =	veq.s32 v60, v6;
	v8 =	vand.u32 $0xFF0, v8;
	v7 =	vand.u32 $0xFF0, v7  }
0xf5: {  	v8 =	vor.u32 v0, v8;
	v61 =	vshrl.u32 v11, $0xB;
	v11 =	vshra.s32 v11, $0x17  }
0xf6: {  	[tilespmem:v10+s9+$0x0] =	vst.idx.add.f32.msk vm3, v1;
	v7 =	vor.u32 v0, v7;
	vm3 =	veq.s32 v11, v6;
	v6 =	vand.u32 $0xFF0, v61  }
0xf7: {  	[tilespmem:v9+s9+$0x0] =	vst.idx.add.f32.msk vm4, v1;
	v6 =	vor.u32 v0, v6  }
0xf8: {  	[tilespmem:v14+s9+$0x0] =	vst.idx.add.f32.msk vm2, v1  }
0xf9: {  	[tilespmem:v12+s9+$0x0] =	vst.idx.add.f32.msk vm5, v1  }
0xfa: {  	[tilespmem:v8+s9+$0x0] =	vst.idx.add.f32.msk vm6, v1  }
0xfb: {  	[tilespmem:v7+s9+$0x0] =	vst.idx.add.f32.msk vm7, v1  }
0xfc: {  	s17 =	simm.s32 $0x80A0;
	[tilespmem:v6+s9+$0x0] =	vst.idx.add.f32.msk vm3, v1  }
0xfd: {  	v6 =	vld [tilespmem:s17+$0x10]  }
0xfe: {  	v7 =	vld [tilespmem:s17+$0xFFFFFFE0];
	_ =	sdelay $0x3  }
0xff: {  	(xrf2) =	vadd.scan.msk.f32 $0xffff, v6  }
0x100: {  	v8 =	vld [tilespmem:s17+$0xFFFFFFF0];
	(xrf2) =	vadd.scan.msk.f32 $0xffff, v7;
	_ =	sdelay $0x1  }
0x101: {  	v6 =	vld [tilespmem:s17+$0x0]  }
0x102: {  	s15 =	simm.s32 $0x0  }
0x103: {  	s16 =	simm.s32 $0x3;
	v7 =	vmov s15;
	s15 =	simm.s32 $0x80E0  }
0x104: {  	s31 =	simm.s32 $0x2;
	(xrf2) =	vadd.scan.msk.f32 $0xffff, v8;
	v8 =	vmov s16;
	v10 =	vld [tilespmem:s15+$0x10]  }
0x105: {  	v9 =	vmov s31  }
0x106: {  	s30 =	simm.s32 $0x1;
	v9 =	vand.u32 $0xFFFFFFFE, v9;
	v7 =	vand.u32 $0xFFFFFFFC, v7;
	(xrf2) =	vadd.scan.msk.f32 $0xffff, v6  }
0x107: {  	v12 =	vld [tilespmem:s15+$0xFFFFFFE0];
	v6 =	vbroadcast v7, $0x0;
	v7 =	vmov s30  }
0x108: {  	v7 =	vand.u32 $0xFFFFFFFD, v7;
	v11, _, _ =	vpop (xrf2)  }
0x109: {  	v7 =	vbroadcast v7, $0x0;
	[tilespmem:v8+s10+$0x0] =	vst.idx.msk vm0, v11;
	v11 =	vbroadcast v9, $0x0;
	v9, _, _ =	vpop (xrf2);
	(xrf2) =	vadd.scan.msk.f32 $0xffff, v10  }
0x10a: {  	v8 =	vld [tilespmem:s15+$0xFFFFFFF0];
	_ =	sdelay $0x1  }
0x10b: {  	[tilespmem:s17+$0x10] =	vst v2;
	(xrf2) =	vadd.scan.msk.f32 $0xffff, v12  }
0x10c: {  	[tilespmem:v6+s10+$0x0] =	vst.idx.msk vm0, v9;
	v6 =	vld [tilespmem:s15+$0x0]  }
0x10d: {  	s19 =	simm.s32 $0x4;
	s20 =	simm.s32 $0x7;
	v9, _, _ =	vpop (xrf2);
	[tilespmem:s17+$0xFFFFFFE0] =	vst v2  }
0x10e: {  	s16 =	simm.s32 $0x8120;
	[tilespmem:v7+s10+$0x0] =	vst.idx.msk vm0, v9;
	v7 =	vmov s19;
	v9 =	vmov s20;
	(xrf2) =	vadd.scan.msk.f32 $0xffff, v8  }
0x10f: {  	v10 =	vld [tilespmem:s16+$0x10];
	[tilespmem:s17+$0xFFFFFFF0] =	vst v2;
	v62 =	vand.u32 $0xFFFFFFFC, v7;
	v63, _, _ =	vpop (xrf2)  }
0x110: {  	s18 =	simm.s32 $0x8;
	s21 =	simm.s32 $0x5;
	s20 =	simm.s32 $0xC;
	v7 =	vld [tilespmem:s16+$0xFFFFFFF0];
	v8 =	vbroadcast v62, $0x0;
	[tilespmem:v11+s10+$0x0] =	vst.idx.msk vm0, v63  }
.LBB2_24:
0x111: {  	p0 =	slt.u32 s20, $0xFC;
	v11 =	vmov s21;
	(xrf2) =	vadd.scan.msk.f32 $0xffff, v6;
	v6 =	vld [tilespmem:s16+$0x0];
	[tilespmem:s17+$0x0] =	vst v2;
	s17 =	smov.u32 s15;
	s15 =	smov.u32 s16  }
0x112: {  	v12 =	vld [tilespmem:s16+$0xFFFFFFE0];
	v11 =	vand.u32 $0xFFFFFFFD, v11;
	v13, _, _ =	vpop (xrf2)  }
0x113: {  	s21 =	sadd.s32 $0x2, s19;
	s19 =	smov.u32 s18;
	s18 =	smov.u32 s20;
	v11 =	vbroadcast v11, $0x0;
	[tilespmem:v9+s10+$0x0] =	vst.idx.msk vm0, v13  }
0x114: {  	v9 =	vmov s21;
	(xrf2) =	vadd.scan.msk.f32 $0xffff, v10;
	[tilespmem:s17+$0x10] =	vst v2  }
0x115: {  	v9 =	vand.u32 $0xFFFFFFFE, v9;
	v10, _, _ =	vpop (xrf2)  }
0x116: {  	v13 =	vbroadcast v9, $0x0;
	[tilespmem:v8+s10+$0x0] =	vst.idx.msk vm0, v10  }
0x117: {  	(xrf2) =	vadd.scan.msk.f32 $0xffff, v12;
	[tilespmem:s17+$0xFFFFFFE0] =	vst v2  }
.Ltmp11:
0x118: {  	v8, _, _ =	vpop (xrf2);
	(pc) =	sbr.rel @p0 .LBB2_24-.Ltmp11, $4  }
0x119: {  	s21 =	sadd.s32 $0x3, s19;
	[tilespmem:v11+s10+$0x0] =	vst.idx.msk vm0, v8  }
0x11a: {  	s16 =	sadd.s32 $0x40, s16;
	v9 =	vmov s21;
	v8 =	vmov s19;
	(xrf2) =	vadd.scan.msk.f32 $0xffff, v7;
	[tilespmem:s17+$0xFFFFFFF0] =	vst v2  }
0x11b: {  	v8 =	vand.u32 $0xFFFFFFFC, v8;
	v10 =	vld [tilespmem:s16+$0x10];
	v11, _, _ =	vpop (xrf2)  }
0x11c: {  	s20 =	sadd.s32 $0x4, s20;
	s21 =	sadd.s32 $0x1, s19;
	v8 =	vbroadcast v8, $0x0;
	v7 =	vld [tilespmem:s16+$0xFFFFFFF0];
	[tilespmem:v13+s10+$0x0] =	vst.idx.msk vm0, v11  }
0x11d: {  	v11 =	vld [tilespmem:s16+$0xFFFFFFE0]  }
0x11e: {  	(xrf2) =	vadd.scan.msk.f32 $0xffff, v6  }
0x11f: {  	v6 =	vmov s21  }
0x120: {  	s19 =	sadd.s32 $0x2, s19;
	v6 =	vand.u32 $0xFFFFFFFD, v6;
	(xrf2) =	vadd.scan.msk.f32 $0xffff, v10  }
0x121: {  	v12 =	vmov s19;
	v6 =	vbroadcast v6, $0x0;
	v10 =	vld [tilespmem:s16+$0x0]  }
0x122: {  	[tilespmem:s17+$0x0] =	vst v2;
	v13, _, _ =	vpop (xrf2);
	v12 =	vand.u32 $0xFFFFFFFE, v12;
	(xrf2) =	vadd.scan.msk.f32 $0xffff, v11  }
0x123: {  	[tilespmem:v9+s10+$0x0] =	vst.idx.msk vm0, v13;
	v9 =	vbroadcast v12, $0x0  }
0x124: {  	[tilespmem:s15+$0x10] =	vst v2;
	v11, _, _ =	vpop (xrf2);
	(xrf2) =	vadd.scan.msk.f32 $0xffff, v7  }
0x125: {  	s26 =	sadd.s32 $0x3, s18;
	[tilespmem:v8+s10+$0x0] =	vst.idx.msk vm0, v11;
	v7 =	vmov s18  }
0x126: {  	s28 =	sadd.s32 $0x1, s18;
	v11 =	vmov s26;
	[tilespmem:s15+$0xFFFFFFE0] =	vst v2;
	v8, _, _ =	vpop (xrf2);
	v7 =	vand.u32 $0xFFFFFFFC, v7;
	(xrf2) =	vadd.scan.msk.f32 $0xffff, v10  }
0x127: {  	[tilespmem:v6+s10+$0x0] =	vst.idx.msk vm0, v8;
	v6 =	vbroadcast v7, $0x0;
	v7 =	vmov s28  }
0x128: {  	s29 =	sadd.s32 $0x2, s18;
	[tilespmem:s15+$0xFFFFFFF0] =	vst v2;
	v7 =	vand.u32 $0xFFFFFFFD, v7;
	v8, _, _ =	vpop (xrf2)  }
0x129: {  	v7 =	vbroadcast v7, $0x0;
	[tilespmem:v9+s10+$0x0] =	vst.idx.msk vm0, v8;
	v8 =	vmov s29  }
0x12a: {  	[tilespmem:s15+$0x0] =	vst v2;
	v8 =	vand.u32 $0xFFFFFFFE, v8;
	v9, _, _ =	vpop (xrf2)  }
0x12b: {  	v8 =	vbroadcast v8, $0x0;
	[tilespmem:v11+s10+$0x0] =	vst.idx.msk vm0, v9  }
0x12c: {  	[tilespmem:s16+$0x10] =	vst v2;
	v9, _, _ =	vpop (xrf2)  }
0x12d: {  	[tilespmem:v6+s10+$0x0] =	vst.idx.msk vm0, v9  }
0x12e: {  	v6, _, _ =	vpop (xrf2);
	[tilespmem:s16+$0xFFFFFFE0] =	vst v2  }
0x12f: {  	[tilespmem:v7+s10+$0x0] =	vst.idx.msk vm0, v6  }
0x130: {  	[tilespmem:s16+$0xFFFFFFF0] =	vst v2;
	v6, _, _ =	vpop (xrf2)  }
0x131: {  	[tilespmem:v8+s10+$0x0] =	vst.idx.msk vm0, v6  }
0x132: {  	s23 =	simm.s32 $0xF0;
	[tilespmem:s16+$0x0] =	vst v2  }
0x133: {  	v11 =	vld [tilespmem:s23+$0x9080];
	_ =	sdelay $0x4  }
0x134: {  	(xrf2) =	vadd.scan.msk.f32 $0xffff, v11;
	_ =	sdelay $0x4  }
0x135: {  	s17 =	simm.s32 $0xE0  }
0x136: {  	s16 =	simm.s32 $0xD0;
	v9 =	vld [tilespmem:s17+$0x9080]  }
0x137: {  	v7 =	vld [tilespmem:s16+$0x9080]  }
0x138: {  	(v2sf) =	vpush v5, $0x0  }
0x139: {  	s18 =	simm.s32 $0xC0  }
0x13a: {  	v10 =	vld [tilespmem:s18+$0x9080];
	v8, _, _ =	vpop (xrf2)  }
0x13b: {  	(xrf2) =	vadd.scan.msk.f32 $0xffff, v9;
	(v2sf) =	vpush v8, $0xF  }
0x13c: {  	(xrf2) =	vadd.scan.msk.f32 $0xffff, v7;
	_ =	sdelay $0x2  }
0x13d: {  	(xrf2) =	vadd.scan.msk.f32 $0xffff, v10;
	_ =	sdelay $0x5  }
0x13e: {  	v13, _, _ =	vpop (xrf2)  }
0x13f: {  	v12 =	vbroadcast v8, $0xF;
	v15, _, _ =	vpop (xrf2)  }
0x140: {  	s30 =	spop (v2sf);
	v14 =	vbroadcast v13, $0xF;
	(v2sf) =	vpush v13, $0xF;
	v16 =	vbroadcast v15, $0xF  }
0x141: {  	s19 =	simm.s32 $0xB0;
	v12 =	vsub.f32 v12, v8;
	(v2sf) =	vpush v15, $0xF  }
0x142: {  	v8 =	vld [tilespmem:s19+$0x9080];
	v17 =	vsub.f32 v14, v13;
	v13 =	vsub.f32 v16, v15;
	v15, _, _ =	vpop (xrf2)  }
0x143: {  	s31 =	simm.f32 $0.0e+00;
	s22 =	spop (v2sf);
	(v2sf) =	vpush v15, $0xF  }
0x144: {  	v12 =	vadd.f32 s31, v12  }
0x145: {  	s15 =	ssub.f32 $3.277000000e+03, s30  }
0x146: {  	v11 =	vadd.f32 v12, v11  }
0x147: {  	s20 =	simm.s32 $0xA0;
	v5 =	vmov s15;
	(xrf2) =	vadd.scan.msk.f32 $0xffff, v8  }
0x148: {  	vm2 =	vge.f32 v11, v5;
	v11 =	vld [tilespmem:s20+$0x9080];
	_ =	sdelay $0x1  }
0x149: {  	s21 =	sadd.f32 s22, s31  }
0x14a: {  	v6 =	vimm.s32 $0x0  }
0x14b: {  	[tilespmem:s23+$0x9180] =	vst v12;
	v14 =	vsel vm2, $0x1, v3;
	v16 =	vbroadcast v15, $0xF;
	s22 =	simm.s32 $0x240;
	v12 =	vadd.f32 s21, v17  }
.LBB2_26:
0x14c: {  	s23 =	sshra.s32 s22, $0x2;
	p0 =	sne.s32 s22, $0x0;
	s22 =	sadd.s32 $0xFFFFFFC0, s22;
	(xrf2) =	vadd.scan.msk.f32 $0xffff, v11;
	v6 =	vadd.s32 v14, v6;
	v14 =	vmov v11  }
.Ltmp12:
0x14d: {  	v11 =	vld [tilespmem:s23+$0x9080];
	v17 =	vsub.f32 v16, v15;
	[tilespmem:s17+$0x9180] =	vst v12;
	v12 =	vadd.f32 v12, v9;
	v9 =	vmovc v7;
	v7 =	vmov v10;
	s17 =	smov.u32 s16;
	s16 =	smov.u32 s18;
	(pc) =	sbr.rel @p0 .LBB2_26-.Ltmp12, $4  }
0x14e: {  	v10 =	vmov v8;
	v8 =	vmov v14;
	s18 =	smov.u32 s19;
	s19 =	smov.u32 s20;
	s24 =	spop (v2sf)  }
0x14f: {  	s20 =	smov.u32 s23;
	vm2 =	vge.f32 v12, v5;
	s21 =	sadd.f32 s24, s21  }
0x150: {  	v15, _, _ =	vpop (xrf2);
	v14 =	vsel vm2, $0x1, v3  }
0x151: {  	v16 =	vbroadcast v15, $0xF;
	(v2sf) =	vpush v15, $0xF;
	v12 =	vadd.f32 s21, v13;
	v13 =	vmovc v17  }
0x152: {  	_ =	sdelay $0x3  }
0x153: {  	v17, _, _ =	vpop (xrf2)  }
0x154: {  	(v2sf) =	vpush v17, $0xF;
	_ =	sdelay $0x2  }
0x155: {  	(xrf2) =	vadd.scan.msk.f32 $0xffff, v11;
	_ =	sdelay $0x5  }
0x156: {  	s22 =	spop (v2sf)  }
0x157: {  	s21 =	sadd.f32 s22, s21  }
0x158: {  	s26 =	spop (v2sf)  }
0x159: {  	s22 =	sadd.f32 s26, s21  }
0x15a: {  	v18 =	vbroadcast v17, $0xF;
	v61, _, _ =	vpop (xrf2);
	s23 =	spop (v2sf)  }
0x15b: {  	v15 =	vsub.f32 v16, v15;
	v9 =	vadd.f32 v12, v9;
	v62 =	vbroadcast v61, $0xF;
	s28 =	sadd.f32 s23, s22  }
0x15c: {  	v13 =	vadd.f32 s21, v13;
	v17 =	vsub.f32 v18, v17;
	s29 =	spop (v2sf)  }
0x15d: {  	v6 =	vadd.s32 v14, v6;
	v15 =	vadd.f32 s22, v15;
	v18 =	vsub.f32 v62, v61;
	s21 =	sadd.f32 s29, s28  }
0x15e: {  	vm2 =	vge.f32 v9, v5;
	v7 =	vadd.f32 v13, v7;
	v17 =	vadd.f32 s28, v17  }
0x15f: {  	v9 =	vsel vm2, $0x1, v3;
	v10 =	vadd.f32 v15, v10;
	v14 =	vadd.f32 s21, v18  }
0x160: {  	v6 =	vadd.s32 v9, v6;
	vm2 =	vge.f32 v7, v5;
	v7 =	vadd.f32 v17, v8  }
0x161: {  	v8 =	vsel vm2, $0x1, v3;
	vm2 =	vge.f32 v10, v5;
	v9 =	vadd.f32 v14, v11  }
0x162: {  	v6 =	vadd.s32 v8, v6;
	v8 =	vsel vm2, $0x1, v3;
	vm2 =	vge.f32 v7, v5  }
0x163: {  	v6 =	vadd.s32 v8, v6;
	v7 =	vsel vm2, $0x1, v3;
	vm2 =	vge.f32 v9, v5  }
0x164: {  	v5 =	vadd.s32 v7, v6;
	v6 =	vsel vm2, $0x1, v3  }
0x165: {  	v5 =	vadd.s32 v6, v5  }
0x166: {  	(xrf0) =	vadd.scan.msk.s32 $0xffff, v5;
	_ =	sdelay $0x5  }
0x167: {  	(v2sf) =	vpush v61, $0xF;
	v5, _, _ =	vpop (xrf0)  }
0x168: {  	(v2sf) =	vpush v5, $0xF;
	_ =	sdelay $0x9  }
0x169: {  	[tilespmem:s17+$0x9180] =	vst v12  }
0x16a: {  	[tilespmem:s16+$0x9180] =	vst v13  }
0x16b: {  	[tilespmem:s18+$0x9180] =	vst v15  }
0x16c: {  	[tilespmem:s19+$0x9180] =	vst v17  }
0x16d: {  	s30 =	simm.s32 $0x40;
	[tilespmem:s20+$0x9180] =	vst v14;
	s31 =	spop (v2sf)  }
0x16e: {  	v5 =	vld [tilespmem:s30+$0xFFFFFFC0];
	s16 =	spop (v2sf)  }
0x16f: {  	v9 =	vld [tilespmem:s30+$0x30];
	s16 =	sadd.s32 $0xFFFFFFFF, s16  }
0x170: {  	v7 =	vld [tilespmem:s30+$0xFFFFFFF0];
	v8 =	vmov s16  }
0x171: {  	s14 =	sshll.u32 s14, $0x8  }
0x172: {  	s16 =	sor.u32 s14, s16  }
0x173: {  	v13 =	vld [tilespmem:s30+$0xFFFFFFE0];
	v10 =	vshra.s32 v5, $0xF;
	v5 =	vshrl.u32 v5, $0x3;
	v6 =	vmov s16  }
0x174: {  	v11 =	vld [tilespmem:s30+$0x0];
	v12 =	vshrl.u32 v9, $0x3;
	v5 =	vand.u32 $0xFF0, v5;
	vm2 =	veq.s32 v10, v6  }
0x175: {  	v14 =	vor.u32 v0, v5;
	v10 =	vshrl.u32 v7, $0x3;
	v5 =	vld.idx.msk [tilespmem:v8+s11+$0x0], $0xffff;
	v8 =	vshra.s32 v7, $0xF  }
0x176: {  	v9 =	vshra.s32 v9, $0xF;
	v10 =	vand.u32 $0xFF0, v10;
	v7 =	vld [tilespmem:s30+$0x20];
	vm3 =	veq.s32 v8, v6  }
0x177: {  	v15 =	vand.u32 $0xFF0, v12;
	vm4 =	veq.s32 v9, v6;
	v10 =	vor.u32 v0, v10;
	v8 =	vld [tilespmem:s30+$0xFFFFFFD0]  }
0x178: {  	v9 =	vor.u32 v0, v15  }
0x179: {  	v63 =	vshrl.u32 v11, $0x3;
	v12 =	vshrl.u32 v13, $0x3;
	v15 =	vshra.s32 v11, $0xF;
	v11 =	vld [tilespmem:s30+$0x10]  }
0x17a: {  	s17 =	simm.s32 $0xC0;
	v13 =	vshra.s32 v13, $0xF;
	s14 =	simm.s32 $0x0;
	[tilespmem:v14+s9+$0x0] =	vst.idx.add.f32.msk vm2, v1;
	vm2 =	veq.s32 v15, v6;
	v14 =	vand.u32 $0xFF0, v63  }
.LBB2_28:
0x17b: {  	v15 =	vld [tilespmem:s17+$0xFFFFFFF0];
	s14 =	sadd.s32 $0x80, s14;
	vm7 =	veq.s32 v13, v6;
	v12 =	vand.u32 $0xFF0, v12;
	v13 =	vor.u32 v0, v14  }
0x17c: {  	v14 =	vshra.s32 v8, $0xF;
	p0 =	slt.u32 s14, $0x7F80;
	v12 =	vor.u32 v0, v12;
	[tilespmem:v10+s9+$0x0] =	vst.idx.add.f32.msk vm3, v1;
	v10 =	vshra.s32 v7, $0xF  }
0x17d: {  	vm6 =	veq.s32 v14, v6;
	v7 =	vshrl.u32 v7, $0x3;
	vm5 =	veq.s32 v10, v6;
	[tilespmem:v9+s9+$0x0] =	vst.idx.add.f32.msk vm4, v1  }
0x17e: {  	v8 =	vshrl.u32 v8, $0x3;
	v7 =	vand.u32 $0xFF0, v7;
	v9 =	vld [tilespmem:s17+$0xFFFFFFC0];
	v10 =	vshrl.u32 v11, $0x3  }
0x17f: {  	v8 =	vand.u32 $0xFF0, v8;
	v11 =	vshra.s32 v11, $0xF;
	v16 =	vor.u32 v0, v7;
	v14 =	vld [tilespmem:s17+$0x30]  }
0x180: {  	vm8 =	veq.s32 v11, v6;
	v10 =	vand.u32 $0xFF0, v10;
	v17 =	vshrl.u32 v15, $0x3;
	v7 =	vld [tilespmem:s17+$0x20]  }
0x181: {  	v18 =	vor.u32 v0, v8;
	v19 =	vor.u32 v0, v10;
	v11 =	vld [tilespmem:s17+$0xFFFFFFE0]  }
0x182: {  	[tilespmem:v12+s9+$0x0] =	vst.idx.add.f32.msk vm7, v1  }
0x183: {  	v8 =	vshra.s32 v9, $0xF;
	v9 =	vshrl.u32 v9, $0x3;
	[tilespmem:v13+s9+$0x0] =	vst.idx.add.f32.msk vm2, v1  }
0x184: {  	vm2 =	veq.s32 v8, v6;
	v8 =	vand.u32 $0xFF0, v9;
	v9 =	vshra.s32 v15, $0xF;
	v15 =	vld [tilespmem:s17+$0x0]  }
0x185: {  	v10 =	vand.u32 $0xFF0, v17;
	v12 =	vshrl.u32 v14, $0x3;
	v20 =	vor.u32 v0, v8;
	v8 =	vld [tilespmem:s17+$0xFFFFFFD0]  }
.Ltmp13:
0x186: {  	vm3 =	veq.s32 v9, v6;
	v9 =	vshra.s32 v14, $0xF;
	v13 =	vand.u32 $0xFF0, v12;
	[tilespmem:v18+s9+$0x0] =	vst.idx.add.f32.msk vm6, v1;
	(pc) =	sbr.rel @p0 .LBB2_28-.Ltmp13, $4  }
0x187: {  	v10 =	vor.u32 v0, v10;
	vm4 =	veq.s32 v9, v6;
	[tilespmem:v16+s9+$0x0] =	vst.idx.add.f32.msk vm5, v1  }
0x188: {  	v12 =	vshrl.u32 v11, $0x3;
	v9 =	vor.u32 v0, v13;
	[tilespmem:v19+s9+$0x0] =	vst.idx.add.f32.msk vm8, v1  }
0x189: {  	v13 =	vshra.s32 v11, $0xF;
	v14 =	vshra.s32 v15, $0xF;
	v15 =	vshrl.u32 v15, $0x3;
	v11 =	vld [tilespmem:s17+$0x10]  }
0x18a: {  	s17 =	sadd.s32 $0x80, s17;
	[tilespmem:v20+s9+$0x0] =	vst.idx.add.f32.msk vm2, v1;
	vm2 =	veq.s32 v14, v6;
	v14 =	vand.u32 $0xFF0, v15  }
0x18b: {  	vm5 =	veq.s32 v13, v6;
	v12 =	vand.u32 $0xFF0, v12;
	v59 =	vshra.s32 v8, $0xF  }
0x18c: {  	v14 =	vor.u32 v0, v14;
	v60 =	vshra.s32 v7, $0xF;
	v8 =	vshrl.u32 v8, $0x3  }
0x18d: {  	v7 =	vshrl.u32 v7, $0x3;
	vm6 =	veq.s32 v59, v6;
	v12 =	vor.u32 v0, v12  }
0x18e: {  	vm7 =	veq.s32 v60, v6;
	v8 =	vand.u32 $0xFF0, v8;
	v7 =	vand.u32 $0xFF0, v7  }
0x18f: {  	v8 =	vor.u32 v0, v8;
	v61 =	vshrl.u32 v11, $0x3;
	v11 =	vshra.s32 v11, $0xF  }
0x190: {  	[tilespmem:v10+s9+$0x0] =	vst.idx.add.f32.msk vm3, v1;
	v7 =	vor.u32 v0, v7;
	vm3 =	veq.s32 v11, v6;
	v6 =	vand.u32 $0xFF0, v61  }
0x191: {  	[tilespmem:v9+s9+$0x0] =	vst.idx.add.f32.msk vm4, v1;
	v6 =	vor.u32 v0, v6  }
0x192: {  	[tilespmem:v14+s9+$0x0] =	vst.idx.add.f32.msk vm2, v1  }
0x193: {  	[tilespmem:v12+s9+$0x0] =	vst.idx.add.f32.msk vm5, v1  }
0x194: {  	[tilespmem:v8+s9+$0x0] =	vst.idx.add.f32.msk vm6, v1  }
0x195: {  	[tilespmem:v7+s9+$0x0] =	vst.idx.add.f32.msk vm7, v1  }
0x196: {  	s18 =	simm.s32 $0x80A0;
	[tilespmem:v6+s9+$0x0] =	vst.idx.add.f32.msk vm3, v1  }
0x197: {  	v6 =	vld [tilespmem:s18+$0x10]  }
0x198: {  	v7 =	vld [tilespmem:s18+$0xFFFFFFE0];
	_ =	sdelay $0x3  }
0x199: {  	(xrf2) =	vadd.scan.msk.f32 $0xffff, v6  }
0x19a: {  	v8 =	vld [tilespmem:s18+$0xFFFFFFF0];
	(xrf2) =	vadd.scan.msk.f32 $0xffff, v7;
	_ =	sdelay $0x1  }
0x19b: {  	v6 =	vld [tilespmem:s18+$0x0]  }
0x19c: {  	s14 =	simm.s32 $0x0  }
0x19d: {  	s17 =	simm.s32 $0x3;
	v7 =	vmov s14;
	s14 =	simm.s32 $0x80E0  }
0x19e: {  	s31 =	simm.s32 $0x2;
	(xrf2) =	vadd.scan.msk.f32 $0xffff, v8;
	v8 =	vmov s17;
	v10 =	vld [tilespmem:s14+$0x10]  }
0x19f: {  	v9 =	vmov s31  }
0x1a0: {  	s30 =	simm.s32 $0x1;
	v9 =	vand.u32 $0xFFFFFFFE, v9;
	v7 =	vand.u32 $0xFFFFFFFC, v7;
	(xrf2) =	vadd.scan.msk.f32 $0xffff, v6  }
0x1a1: {  	v12 =	vld [tilespmem:s14+$0xFFFFFFE0];
	v6 =	vbroadcast v7, $0x0;
	v7 =	vmov s30  }
0x1a2: {  	v7 =	vand.u32 $0xFFFFFFFD, v7;
	v11, _, _ =	vpop (xrf2)  }
0x1a3: {  	v7 =	vbroadcast v7, $0x0;
	[tilespmem:v8+s10+$0x0] =	vst.idx.msk vm0, v11;
	v11 =	vbroadcast v9, $0x0;
	v9, _, _ =	vpop (xrf2);
	(xrf2) =	vadd.scan.msk.f32 $0xffff, v10  }
0x1a4: {  	v8 =	vld [tilespmem:s14+$0xFFFFFFF0];
	_ =	sdelay $0x1  }
0x1a5: {  	[tilespmem:s18+$0x10] =	vst v2;
	(xrf2) =	vadd.scan.msk.f32 $0xffff, v12  }
0x1a6: {  	[tilespmem:v6+s10+$0x0] =	vst.idx.msk vm0, v9;
	v6 =	vld [tilespmem:s14+$0x0]  }
0x1a7: {  	s20 =	simm.s32 $0x4;
	s21 =	simm.s32 $0x7;
	v9, _, _ =	vpop (xrf2);
	[tilespmem:s18+$0xFFFFFFE0] =	vst v2  }
0x1a8: {  	s17 =	simm.s32 $0x8120;
	[tilespmem:v7+s10+$0x0] =	vst.idx.msk vm0, v9;
	v7 =	vmov s20;
	v9 =	vmov s21;
	(xrf2) =	vadd.scan.msk.f32 $0xffff, v8  }
0x1a9: {  	v10 =	vld [tilespmem:s17+$0x10];
	[tilespmem:s18+$0xFFFFFFF0] =	vst v2;
	v62 =	vand.u32 $0xFFFFFFFC, v7;
	v63, _, _ =	vpop (xrf2)  }
0x1aa: {  	s19 =	simm.s32 $0x8;
	s22 =	simm.s32 $0x5;
	s21 =	simm.s32 $0xC;
	v7 =	vld [tilespmem:s17+$0xFFFFFFF0];
	v8 =	vbroadcast v62, $0x0;
	[tilespmem:v11+s10+$0x0] =	vst.idx.msk vm0, v63  }
.LBB2_30:
0x1ab: {  	p0 =	slt.u32 s21, $0xFC;
	v11 =	vmov s22;
	(xrf2) =	vadd.scan.msk.f32 $0xffff, v6;
	v6 =	vld [tilespmem:s17+$0x0];
	[tilespmem:s18+$0x0] =	vst v2;
	s18 =	smov.u32 s14;
	s14 =	smov.u32 s17  }
0x1ac: {  	v12 =	vld [tilespmem:s17+$0xFFFFFFE0];
	v11 =	vand.u32 $0xFFFFFFFD, v11;
	v13, _, _ =	vpop (xrf2)  }
0x1ad: {  	s22 =	sadd.s32 $0x2, s20;
	s20 =	smov.u32 s19;
	s19 =	smov.u32 s21;
	v11 =	vbroadcast v11, $0x0;
	[tilespmem:v9+s10+$0x0] =	vst.idx.msk vm0, v13  }
0x1ae: {  	v9 =	vmov s22;
	(xrf2) =	vadd.scan.msk.f32 $0xffff, v10;
	[tilespmem:s18+$0x10] =	vst v2  }
0x1af: {  	v9 =	vand.u32 $0xFFFFFFFE, v9;
	v10, _, _ =	vpop (xrf2)  }
0x1b0: {  	v13 =	vbroadcast v9, $0x0;
	[tilespmem:v8+s10+$0x0] =	vst.idx.msk vm0, v10  }
0x1b1: {  	(xrf2) =	vadd.scan.msk.f32 $0xffff, v12;
	[tilespmem:s18+$0xFFFFFFE0] =	vst v2  }
.Ltmp14:
0x1b2: {  	v8, _, _ =	vpop (xrf2);
	(pc) =	sbr.rel @p0 .LBB2_30-.Ltmp14, $4  }
0x1b3: {  	s22 =	sadd.s32 $0x3, s20;
	[tilespmem:v11+s10+$0x0] =	vst.idx.msk vm0, v8  }
0x1b4: {  	s17 =	sadd.s32 $0x40, s17;
	v9 =	vmov s22;
	v8 =	vmov s20;
	(xrf2) =	vadd.scan.msk.f32 $0xffff, v7;
	[tilespmem:s18+$0xFFFFFFF0] =	vst v2  }
0x1b5: {  	v8 =	vand.u32 $0xFFFFFFFC, v8;
	v10 =	vld [tilespmem:s17+$0x10];
	v11, _, _ =	vpop (xrf2)  }
0x1b6: {  	s21 =	sadd.s32 $0x4, s21;
	s22 =	sadd.s32 $0x1, s20;
	v8 =	vbroadcast v8, $0x0;
	v7 =	vld [tilespmem:s17+$0xFFFFFFF0];
	[tilespmem:v13+s10+$0x0] =	vst.idx.msk vm0, v11  }
0x1b7: {  	v11 =	vld [tilespmem:s17+$0xFFFFFFE0]  }
0x1b8: {  	(xrf2) =	vadd.scan.msk.f32 $0xffff, v6  }
0x1b9: {  	v6 =	vmov s22  }
0x1ba: {  	s20 =	sadd.s32 $0x2, s20;
	v6 =	vand.u32 $0xFFFFFFFD, v6;
	(xrf2) =	vadd.scan.msk.f32 $0xffff, v10  }
0x1bb: {  	v12 =	vmov s20;
	v6 =	vbroadcast v6, $0x0;
	v10 =	vld [tilespmem:s17+$0x0]  }
0x1bc: {  	[tilespmem:s18+$0x0] =	vst v2;
	v13, _, _ =	vpop (xrf2);
	v12 =	vand.u32 $0xFFFFFFFE, v12;
	(xrf2) =	vadd.scan.msk.f32 $0xffff, v11  }
0x1bd: {  	[tilespmem:v9+s10+$0x0] =	vst.idx.msk vm0, v13;
	v9 =	vbroadcast v12, $0x0  }
0x1be: {  	[tilespmem:s14+$0x10] =	vst v2;
	v11, _, _ =	vpop (xrf2);
	(xrf2) =	vadd.scan.msk.f32 $0xffff, v7  }
0x1bf: {  	s26 =	sadd.s32 $0x3, s19;
	[tilespmem:v8+s10+$0x0] =	vst.idx.msk vm0, v11;
	v7 =	vmov s19  }
0x1c0: {  	s28 =	sadd.s32 $0x1, s19;
	v11 =	vmov s26;
	[tilespmem:s14+$0xFFFFFFE0] =	vst v2;
	v8, _, _ =	vpop (xrf2);
	v7 =	vand.u32 $0xFFFFFFFC, v7;
	(xrf2) =	vadd.scan.msk.f32 $0xffff, v10  }
0x1c1: {  	[tilespmem:v6+s10+$0x0] =	vst.idx.msk vm0, v8;
	v6 =	vbroadcast v7, $0x0;
	v7 =	vmov s28  }
0x1c2: {  	s29 =	sadd.s32 $0x2, s19;
	[tilespmem:s14+$0xFFFFFFF0] =	vst v2;
	v7 =	vand.u32 $0xFFFFFFFD, v7;
	v8, _, _ =	vpop (xrf2)  }
0x1c3: {  	v7 =	vbroadcast v7, $0x0;
	[tilespmem:v9+s10+$0x0] =	vst.idx.msk vm0, v8;
	v8 =	vmov s29  }
0x1c4: {  	[tilespmem:s14+$0x0] =	vst v2;
	v8 =	vand.u32 $0xFFFFFFFE, v8;
	v9, _, _ =	vpop (xrf2)  }
0x1c5: {  	v8 =	vbroadcast v8, $0x0;
	[tilespmem:v11+s10+$0x0] =	vst.idx.msk vm0, v9  }
0x1c6: {  	[tilespmem:s17+$0x10] =	vst v2;
	v9, _, _ =	vpop (xrf2)  }
0x1c7: {  	[tilespmem:v6+s10+$0x0] =	vst.idx.msk vm0, v9  }
0x1c8: {  	(v2sf) =	vpush v5, $0x0;
	v6, _, _ =	vpop (xrf2);
	[tilespmem:s17+$0xFFFFFFE0] =	vst v2  }
0x1c9: {  	[tilespmem:v7+s10+$0x0] =	vst.idx.msk vm0, v6  }
0x1ca: {  	[tilespmem:s17+$0xFFFFFFF0] =	vst v2;
	v6, _, _ =	vpop (xrf2)  }
0x1cb: {  	[tilespmem:v8+s10+$0x0] =	vst.idx.msk vm0, v6  }
0x1cc: {  	s23 =	simm.s32 $0xF0;
	[tilespmem:s17+$0x0] =	vst v2  }
0x1cd: {  	v11 =	vld [tilespmem:s23+$0x9080];
	_ =	sdelay $0x4  }
0x1ce: {  	(xrf2) =	vadd.scan.msk.f32 $0xffff, v11;
	_ =	sdelay $0x4  }
0x1cf: {  	s30 =	spop (v2sf);
	s17 =	simm.s32 $0xE0  }
0x1d0: {  	s14 =	ssub.f32 s15, s30;
	s15 =	simm.s32 $0xD0;
	v9 =	vld [tilespmem:s17+$0x9080]  }
0x1d1: {  	v7 =	vld [tilespmem:s15+$0x9080];
	_ =	sdelay $0x1  }
0x1d2: {  	s18 =	simm.s32 $0xC0  }
0x1d3: {  	v10 =	vld [tilespmem:s18+$0x9080];
	v8, _, _ =	vpop (xrf2)  }
0x1d4: {  	(xrf2) =	vadd.scan.msk.f32 $0xffff, v9;
	(v2sf) =	vpush v8, $0xF  }
0x1d5: {  	(xrf2) =	vadd.scan.msk.f32 $0xffff, v7;
	_ =	sdelay $0x2  }
0x1d6: {  	(xrf2) =	vadd.scan.msk.f32 $0xffff, v10;
	_ =	sdelay $0x5  }
0x1d7: {  	v13, _, _ =	vpop (xrf2)  }
0x1d8: {  	v12 =	vbroadcast v8, $0xF;
	v15, _, _ =	vpop (xrf2)  }
0x1d9: {  	v14 =	vbroadcast v13, $0xF;
	(v2sf) =	vpush v13, $0xF;
	v16 =	vbroadcast v15, $0xF  }
0x1da: {  	s19 =	simm.s32 $0xB0;
	v12 =	vsub.f32 v12, v8;
	(v2sf) =	vpush v15, $0xF  }
0x1db: {  	v8 =	vld [tilespmem:s19+$0x9080];
	v17 =	vsub.f32 v14, v13;
	v13 =	vsub.f32 v16, v15;
	v15, _, _ =	vpop (xrf2)  }
0x1dc: {  	s21 =	simm.f32 $0.0e+00;
	s31 =	spop (v2sf);
	(v2sf) =	vpush v15, $0xF  }
0x1dd: {  	v12 =	vadd.f32 s21, v12;
	_ =	sdelay $0x1  }
0x1de: {  	v11 =	vadd.f32 v12, v11  }
0x1df: {  	s20 =	simm.s32 $0xA0;
	v5 =	vmov s14;
	(xrf2) =	vadd.scan.msk.f32 $0xffff, v8  }
0x1e0: {  	vm2 =	vge.f32 v11, v5;
	v11 =	vld [tilespmem:s20+$0x9080];
	_ =	sdelay $0x1  }
0x1e1: {  	s21 =	sadd.f32 s31, s21  }
0x1e2: {  	v6 =	vimm.s32 $0x0  }
0x1e3: {  	s22 =	simm.s32 $0x240;
	[tilespmem:s23+$0x9180] =	vst v12;
	v14 =	vsel vm2, $0x1, v3;
	v16 =	vbroadcast v15, $0xF;
	v12 =	vadd.f32 s21, v17  }
.LBB2_32:
0x1e4: {  	s23 =	sshra.s32 s22, $0x2;
	p0 =	sne.s32 s22, $0x0;
	s22 =	sadd.s32 $0xFFFFFFC0, s22;
	(xrf2) =	vadd.scan.msk.f32 $0xffff, v11;
	v6 =	vadd.s32 v14, v6;
	v14 =	vmov v11  }
.Ltmp15:
0x1e5: {  	v11 =	vld [tilespmem:s23+$0x9080];
	v17 =	vsub.f32 v16, v15;
	[tilespmem:s17+$0x9180] =	vst v12;
	v12 =	vadd.f32 v12, v9;
	v9 =	vmovc v7;
	v7 =	vmov v10;
	s17 =	smov.u32 s15;
	s15 =	smov.u32 s18;
	(pc) =	sbr.rel @p0 .LBB2_32-.Ltmp15, $4  }
0x1e6: {  	v10 =	vmov v8;
	v8 =	vmov v14;
	s18 =	smov.u32 s19;
	s19 =	smov.u32 s20;
	s24 =	spop (v2sf)  }
0x1e7: {  	s20 =	smov.u32 s23;
	vm2 =	vge.f32 v12, v5;
	s21 =	sadd.f32 s24, s21  }
0x1e8: {  	v15, _, _ =	vpop (xrf2);
	v14 =	vsel vm2, $0x1, v3  }
0x1e9: {  	v16 =	vbroadcast v15, $0xF;
	(v2sf) =	vpush v15, $0xF;
	v12 =	vadd.f32 s21, v13;
	v13 =	vmovc v17  }
0x1ea: {  	_ =	sdelay $0x3  }
0x1eb: {  	v17, _, _ =	vpop (xrf2)  }
0x1ec: {  	(v2sf) =	vpush v17, $0xF;
	_ =	sdelay $0x2  }
0x1ed: {  	(xrf2) =	vadd.scan.msk.f32 $0xffff, v11;
	_ =	sdelay $0x5  }
0x1ee: {  	s22 =	spop (v2sf)  }
0x1ef: {  	s21 =	sadd.f32 s22, s21  }
0x1f0: {  	s26 =	spop (v2sf)  }
0x1f1: {  	s22 =	sadd.f32 s26, s21;
	v18 =	vbroadcast v17, $0xF  }
0x1f2: {  	v15 =	vsub.f32 v16, v15;
	v16, _, _ =	vpop (xrf2);
	s23 =	spop (v2sf)  }
0x1f3: {  	v17 =	vsub.f32 v18, v17;
	v18 =	vbroadcast v16, $0xF;
	s28 =	sadd.f32 s23, s22  }
0x1f4: {  	v9 =	vadd.f32 v12, v9;
	v13 =	vadd.f32 s21, v13;
	s29 =	spop (v2sf)  }
0x1f5: {  	v6 =	vadd.s32 v14, v6;
	v15 =	vadd.f32 s22, v15;
	v18 =	vsub.f32 v18, v16;
	s21 =	sadd.f32 s29, s28  }
0x1f6: {  	vm2 =	vge.f32 v9, v5;
	v7 =	vadd.f32 v13, v7;
	v17 =	vadd.f32 s28, v17  }
0x1f7: {  	v9 =	vsel vm2, $0x1, v3;
	v10 =	vadd.f32 v15, v10;
	v14 =	vadd.f32 s21, v18  }
0x1f8: {  	v6 =	vadd.s32 v9, v6;
	vm2 =	vge.f32 v7, v5;
	v7 =	vadd.f32 v17, v8  }
0x1f9: {  	v8 =	vsel vm2, $0x1, v3;
	vm2 =	vge.f32 v10, v5;
	v9 =	vadd.f32 v14, v11  }
0x1fa: {  	v6 =	vadd.s32 v8, v6;
	v8 =	vsel vm2, $0x1, v3;
	vm2 =	vge.f32 v7, v5  }
0x1fb: {  	v6 =	vadd.s32 v8, v6;
	v7 =	vsel vm2, $0x1, v3;
	vm2 =	vge.f32 v9, v5  }
0x1fc: {  	v5 =	vadd.s32 v7, v6;
	v6 =	vsel vm2, $0x1, v3  }
0x1fd: {  	v5 =	vadd.s32 v6, v5  }
0x1fe: {  	(xrf0) =	vadd.scan.msk.s32 $0xffff, v5;
	_ =	sdelay $0x5  }
0x1ff: {  	(v2sf) =	vpush v16, $0xF;
	v5, _, _ =	vpop (xrf0)  }
0x200: {  	(v2sf) =	vpush v5, $0xF;
	_ =	sdelay $0x3  }
0x201: {  	[tilespmem:s17+$0x9180] =	vst v12  }
0x202: {  	[tilespmem:s15+$0x9180] =	vst v13  }
0x203: {  	[tilespmem:s18+$0x9180] =	vst v15  }
0x204: {  	[tilespmem:s19+$0x9180] =	vst v17  }
0x205: {  	s30 =	simm.s32 $0x40;
	[tilespmem:s20+$0x9180] =	vst v14  }
0x206: {  	v15 =	vld [tilespmem:s30+$0xFFFFFFC0]  }
0x207: {  	v7 =	vld [tilespmem:s30+$0xFFFFFFD0]  }
0x208: {  	v8 =	vld [tilespmem:s30+$0xFFFFFFE0]  }
0x209: {  	v16 =	vld [tilespmem:s30+$0x20]  }
0x20a: {  	v5 =	vld [tilespmem:s30+$0x30]  }
0x20b: {  	v9 =	vld [tilespmem:s30+$0xFFFFFFF0];
	s31 =	spop (v2sf);
	v22 =	vshra.s32 v15, $0x7  }
0x20c: {  	v12 =	vld [tilespmem:s30+$0x0];
	v17 =	vshll.u32 v15, $0x4;
	v13 =	vshll.u32 v7, $0x4;
	v18 =	vshra.s32 v7, $0x7;
	s15 =	spop (v2sf)  }
0x20d: {  	s16 =	sshll.u32 s16, $0x8;
	v7 =	vshll.u32 v8, $0x4;
	v8 =	vshra.s32 v8, $0x7;
	v23 =	vor.u32 v0, v17;
	s15 =	sadd.s32 $0xFFFFFFFF, s15  }
0x20e: {  	v17 =	vshra.s32 v16, $0x7;
	v21 =	vor.u32 v0, v7;
	v10 =	vmov s15;
	s15 =	sor.u32 s16, s15  }
0x20f: {  	v14 =	vld [tilespmem:s30+$0x10];
	v11 =	vshra.s32 v5, $0x7;
	v5 =	vshll.u32 v5, $0x4;
	v6 =	vmov s15  }
0x210: {  	v7 =	vshra.s32 v9, $0x7;
	v5 =	vor.u32 v0, v5;
	vm3 =	veq.s32 v11, v6  }
0x211: {  	v19 =	vand.u32 $0x7FF, v5;
	v5 =	vshll.u32 v9, $0x4;
	v9 =	vshll.u32 v12, $0x4  }
0x212: {  	v20 =	vor.u32 v0, v13;
	v13 =	vor.u32 v0, v9;
	v9 =	vshll.u32 v16, $0x4  }
0x213: {  	v12 =	vshra.s32 v12, $0x7;
	v16 =	vor.u32 v0, v9;
	v9 =	vand.u32 $0x7FF, v23  }
0x214: {  	v11 =	vor.u32 v0, v5;
	v5 =	vshll.u32 v14, $0x4;
	v14 =	vshra.s32 v14, $0x7  }
0x215: {  	vm4 =	veq.s32 v22, v6;
	vm2 =	veq.s32 v18, v6;
	v15 =	vor.u32 v0, v5;
	v5 =	vld.idx.msk [tilespmem:v10+s11+$0x0], $0xffff  }
0x216: {  	s17 =	simm.s32 $0x0;
	s18 =	simm.s32 $0xC0;
	v10 =	vand.u32 $0x7FF, v20;
	[tilespmem:v19+s9+$0x0] =	vst.idx.add.f32.msk vm3, v1;
	vm3 =	veq.s32 v8, v6;
	v8 =	vand.u32 $0x7FF, v21  }
.LBB2_34:
0x217: {  	v18 =	vld [tilespmem:s18+$0x30];
	s17 =	sadd.s32 $0x80, s17;
	vm8 =	veq.s32 v7, v6;
	v19 =	vand.u32 $0x7FF, v11;
	vm6 =	veq.s32 v12, v6  }
0x218: {  	v20 =	vand.u32 $0x7FF, v13;
	vm7 =	veq.s32 v14, v6;
	v21 =	vand.u32 $0x7FF, v15;
	v7 =	vld [tilespmem:s18+$0xFFFFFFD0];
	p0 =	slt.u32 s17, $0x7F80  }
0x219: {  	vm5 =	veq.s32 v17, v6;
	v22 =	vand.u32 $0x7FF, v16;
	v11 =	vld [tilespmem:s18+$0xFFFFFFE0]  }
0x21a: {  	v12 =	vld [tilespmem:s18+$0xFFFFFFF0]  }
0x21b: {  	v13 =	vld [tilespmem:s18+$0x0]  }
0x21c: {  	v14 =	vld [tilespmem:s18+$0x10];
	v15 =	vshra.s32 v18, $0x7;
	v16 =	vshll.u32 v18, $0x4  }
0x21d: {  	v17 =	vshll.u32 v7, $0x4;
	v18 =	vld [tilespmem:s18+$0x20];
	vm9 =	veq.s32 v15, v6;
	v15 =	vor.u32 v0, v16  }
0x21e: {  	v23 =	vshra.s32 v7, $0x7;
	v16 =	vld [tilespmem:s18+$0xFFFFFFC0];
	v7 =	vshll.u32 v11, $0x4;
	v24 =	vand.u32 $0x7FF, v15  }
0x21f: {  	v25 =	vor.u32 v0, v17;
	v26 =	vshra.s32 v11, $0x7;
	v11 =	vshll.u32 v12, $0x4;
	[tilespmem:v9+s9+$0x0] =	vst.idx.add.f32.msk vm4, v1  }
0x220: {  	v27 =	vor.u32 v0, v7;
	v7 =	vshra.s32 v12, $0x7;
	v9 =	vshll.u32 v13, $0x4;
	[tilespmem:v10+s9+$0x0] =	vst.idx.add.f32.msk vm2, v1  }
0x221: {  	v11 =	vor.u32 v0, v11;
	v12 =	vshra.s32 v13, $0x7;
	v10 =	vshll.u32 v14, $0x4;
	[tilespmem:v8+s9+$0x0] =	vst.idx.add.f32.msk vm3, v1  }
.Ltmp16:
0x222: {  	v13 =	vor.u32 v0, v9;
	v14 =	vshra.s32 v14, $0x7;
	v8 =	vshll.u32 v18, $0x4;
	[tilespmem:v19+s9+$0x0] =	vst.idx.add.f32.msk vm8, v1;
	(pc) =	sbr.rel @p0 .LBB2_34-.Ltmp16, $4  }
0x223: {  	s19 =	simm.s32 $0x0;
	s16 =	simm.s32 $0x80A0;
	v15 =	vor.u32 v0, v10;
	v9 =	vshra.s32 v16, $0x7;
	v16 =	vshll.u32 v16, $0x4;
	[tilespmem:v24+s9+$0x0] =	vst.idx.add.f32.msk vm9, v1  }
0x224: {  	v17 =	vshra.s32 v18, $0x7;
	v10 =	vor.u32 v0, v16;
	v16 =	vor.u32 v0, v8;
	[tilespmem:v20+s9+$0x0] =	vst.idx.add.f32.msk vm6, v1  }
0x225: {  	vm2 =	veq.s32 v23, v6;
	vm4 =	veq.s32 v9, v6;
	v9 =	vand.u32 $0x7FF, v10;
	[tilespmem:v21+s9+$0x0] =	vst.idx.add.f32.msk vm7, v1  }
0x226: {  	s18 =	sadd.s32 $0x80, s18;
	vm3 =	veq.s32 v26, v6;
	v8 =	vand.u32 $0x7FF, v27;
	v10 =	vand.u32 $0x7FF, v25;
	[tilespmem:v22+s9+$0x0] =	vst.idx.add.f32.msk vm5, v1  }
0x227: {  	_ =	sdelay $0x1  }
0x228: {  	vm5 =	veq.s32 v7, v6  }
0x229: {  	v7 =	vand.u32 $0x7FF, v11;
	vm6 =	veq.s32 v12, v6  }
0x22a: {  	v11 =	vand.u32 $0x7FF, v13;
	vm7 =	veq.s32 v14, v6  }
0x22b: {  	v61 =	vand.u32 $0x7FF, v15;
	vm8 =	veq.s32 v17, v6;
	[tilespmem:v9+s9+$0x0] =	vst.idx.add.f32.msk vm4, v1  }
0x22c: {  	v6 =	vand.u32 $0x7FF, v16;
	[tilespmem:v10+s9+$0x0] =	vst.idx.add.f32.msk vm2, v1  }
0x22d: {  	[tilespmem:v8+s9+$0x0] =	vst.idx.add.f32.msk vm3, v1  }
0x22e: {  	[tilespmem:v7+s9+$0x0] =	vst.idx.add.f32.msk vm5, v1  }
0x22f: {  	[tilespmem:v11+s9+$0x0] =	vst.idx.add.f32.msk vm6, v1  }
0x230: {  	[tilespmem:v61+s9+$0x0] =	vst.idx.add.f32.msk vm7, v1  }
0x231: {  	[tilespmem:v6+s9+$0x0] =	vst.idx.add.f32.msk vm8, v1  }
0x232: {  	v6 =	vld [tilespmem:s16+$0x10]  }
0x233: {  	v7 =	vld [tilespmem:s16+$0xFFFFFFE0];
	_ =	sdelay $0x3  }
0x234: {  	v8 =	vld [tilespmem:s16+$0xFFFFFFF0];
	(xrf2) =	vadd.scan.msk.f32 $0xffff, v6  }
0x235: {  	(xrf2) =	vadd.scan.msk.f32 $0xffff, v7;
	_ =	sdelay $0x1  }
0x236: {  	v6 =	vld [tilespmem:s16+$0x0]  }
0x237: {  	s17 =	simm.s32 $0x3  }
0x238: {  	(xrf2) =	vadd.scan.msk.f32 $0xffff, v8;
	v8 =	vmov s17;
	s17 =	simm.s32 $0x80E0  }
0x239: {  	s18 =	simm.s32 $0x2;
	v10 =	vld [tilespmem:s17+$0x10]  }
0x23a: {  	v9 =	vmov s18;
	v7 =	vmov s19  }
0x23b: {  	s31 =	simm.s32 $0x1;
	v9 =	vand.u32 $0xFFFFFFFE, v9;
	v7 =	vand.u32 $0xFFFFFFFC, v7;
	(xrf2) =	vadd.scan.msk.f32 $0xffff, v6  }
0x23c: {  	v12 =	vld [tilespmem:s17+$0xFFFFFFE0];
	v6 =	vbroadcast v7, $0x0;
	v7 =	vmov s31  }
0x23d: {  	v7 =	vand.u32 $0xFFFFFFFD, v7;
	v11, _, _ =	vpop (xrf2)  }
0x23e: {  	v7 =	vbroadcast v7, $0x0;
	[tilespmem:v8+s10+$0x0] =	vst.idx.msk vm0, v11;
	v11 =	vbroadcast v9, $0x0;
	v9, _, _ =	vpop (xrf2);
	(xrf2) =	vadd.scan.msk.f32 $0xffff, v10  }
0x23f: {  	v8 =	vld [tilespmem:s17+$0xFFFFFFF0];
	_ =	sdelay $0x1  }
0x240: {  	[tilespmem:s16+$0x10] =	vst v2;
	(xrf2) =	vadd.scan.msk.f32 $0xffff, v12  }
0x241: {  	[tilespmem:v6+s10+$0x0] =	vst.idx.msk vm0, v9;
	v6 =	vld [tilespmem:s17+$0x0]  }
0x242: {  	s20 =	simm.s32 $0x4;
	s21 =	simm.s32 $0x7;
	v9, _, _ =	vpop (xrf2);
	[tilespmem:s16+$0xFFFFFFE0] =	vst v2  }
0x243: {  	s18 =	simm.s32 $0x8120;
	[tilespmem:v7+s10+$0x0] =	vst.idx.msk vm0, v9;
	v7 =	vmov s20;
	v9 =	vmov s21;
	(xrf2) =	vadd.scan.msk.f32 $0xffff, v8  }
0x244: {  	v10 =	vld [tilespmem:s18+$0x10];
	[tilespmem:s16+$0xFFFFFFF0] =	vst v2;
	v62 =	vand.u32 $0xFFFFFFFC, v7;
	v63, _, _ =	vpop (xrf2)  }
0x245: {  	s22 =	simm.s32 $0x5;
	s19 =	simm.s32 $0x8;
	s21 =	simm.s32 $0xC;
	v7 =	vld [tilespmem:s18+$0xFFFFFFF0];
	v8 =	vbroadcast v62, $0x0;
	[tilespmem:v11+s10+$0x0] =	vst.idx.msk vm0, v63  }
.LBB2_36:
0x246: {  	p0 =	slt.u32 s21, $0x7C;
	v11 =	vmov s22;
	(xrf2) =	vadd.scan.msk.f32 $0xffff, v6;
	v6 =	vld [tilespmem:s18+$0x0];
	[tilespmem:s16+$0x0] =	vst v2;
	s16 =	smov.u32 s17;
	s17 =	smov.u32 s18  }
0x247: {  	v12 =	vld [tilespmem:s18+$0xFFFFFFE0];
	v11 =	vand.u32 $0xFFFFFFFD, v11;
	v13, _, _ =	vpop (xrf2)  }
0x248: {  	s22 =	sadd.s32 $0x2, s20;
	s20 =	smov.u32 s19;
	s19 =	smov.u32 s21;
	v11 =	vbroadcast v11, $0x0;
	[tilespmem:v9+s10+$0x0] =	vst.idx.msk vm0, v13  }
0x249: {  	v9 =	vmov s22;
	(xrf2) =	vadd.scan.msk.f32 $0xffff, v10;
	[tilespmem:s16+$0x10] =	vst v2  }
0x24a: {  	v9 =	vand.u32 $0xFFFFFFFE, v9;
	v10, _, _ =	vpop (xrf2)  }
0x24b: {  	v13 =	vbroadcast v9, $0x0;
	[tilespmem:v8+s10+$0x0] =	vst.idx.msk vm0, v10  }
0x24c: {  	(xrf2) =	vadd.scan.msk.f32 $0xffff, v12;
	[tilespmem:s16+$0xFFFFFFE0] =	vst v2  }
.Ltmp17:
0x24d: {  	v8, _, _ =	vpop (xrf2);
	(pc) =	sbr.rel @p0 .LBB2_36-.Ltmp17, $4  }
0x24e: {  	s22 =	sadd.s32 $0x3, s20;
	[tilespmem:v11+s10+$0x0] =	vst.idx.msk vm0, v8  }
0x24f: {  	s18 =	sadd.s32 $0x40, s18;
	v9 =	vmov s22;
	v8 =	vmov s20;
	(xrf2) =	vadd.scan.msk.f32 $0xffff, v7;
	[tilespmem:s16+$0xFFFFFFF0] =	vst v2  }
0x250: {  	v8 =	vand.u32 $0xFFFFFFFC, v8;
	v10 =	vld [tilespmem:s18+$0x10];
	v11, _, _ =	vpop (xrf2)  }
0x251: {  	s21 =	sadd.s32 $0x4, s21;
	s22 =	sadd.s32 $0x1, s20;
	v8 =	vbroadcast v8, $0x0;
	v7 =	vld [tilespmem:s18+$0xFFFFFFF0];
	[tilespmem:v13+s10+$0x0] =	vst.idx.msk vm0, v11  }
0x252: {  	v11 =	vld [tilespmem:s18+$0xFFFFFFE0]  }
0x253: {  	(xrf2) =	vadd.scan.msk.f32 $0xffff, v6  }
0x254: {  	v6 =	vmov s22  }
0x255: {  	s20 =	sadd.s32 $0x2, s20;
	v6 =	vand.u32 $0xFFFFFFFD, v6;
	(xrf2) =	vadd.scan.msk.f32 $0xffff, v10  }
0x256: {  	v12 =	vmov s20;
	v6 =	vbroadcast v6, $0x0;
	v10 =	vld [tilespmem:s18+$0x0]  }
0x257: {  	[tilespmem:s16+$0x0] =	vst v2;
	v13, _, _ =	vpop (xrf2);
	v12 =	vand.u32 $0xFFFFFFFE, v12;
	(xrf2) =	vadd.scan.msk.f32 $0xffff, v11  }
0x258: {  	[tilespmem:v9+s10+$0x0] =	vst.idx.msk vm0, v13;
	v9 =	vbroadcast v12, $0x0  }
0x259: {  	[tilespmem:s17+$0x10] =	vst v2;
	v11, _, _ =	vpop (xrf2);
	(xrf2) =	vadd.scan.msk.f32 $0xffff, v7  }
0x25a: {  	s25 =	sadd.s32 $0x3, s19;
	[tilespmem:v8+s10+$0x0] =	vst.idx.msk vm0, v11;
	v7 =	vmov s19  }
0x25b: {  	s26 =	sadd.s32 $0x1, s19;
	v11 =	vmov s25;
	[tilespmem:s17+$0xFFFFFFE0] =	vst v2;
	v8, _, _ =	vpop (xrf2);
	v7 =	vand.u32 $0xFFFFFFFC, v7;
	(xrf2) =	vadd.scan.msk.f32 $0xffff, v10  }
0x25c: {  	[tilespmem:v6+s10+$0x0] =	vst.idx.msk vm0, v8;
	v6 =	vbroadcast v7, $0x0;
	v7 =	vmov s26  }
0x25d: {  	s28 =	sadd.s32 $0x2, s19;
	[tilespmem:s17+$0xFFFFFFF0] =	vst v2;
	v7 =	vand.u32 $0xFFFFFFFD, v7;
	v8, _, _ =	vpop (xrf2)  }
0x25e: {  	v7 =	vbroadcast v7, $0x0;
	[tilespmem:v9+s10+$0x0] =	vst.idx.msk vm0, v8;
	v8 =	vmov s28  }
0x25f: {  	[tilespmem:s17+$0x0] =	vst v2;
	v8 =	vand.u32 $0xFFFFFFFE, v8;
	v9, _, _ =	vpop (xrf2)  }
0x260: {  	v8 =	vbroadcast v8, $0x0;
	[tilespmem:v11+s10+$0x0] =	vst.idx.msk vm0, v9  }
0x261: {  	(v2sf) =	vpush v5, $0x0;
	[tilespmem:s18+$0x10] =	vst v2;
	v9, _, _ =	vpop (xrf2)  }
0x262: {  	[tilespmem:v6+s10+$0x0] =	vst.idx.msk vm0, v9  }
0x263: {  	v6, _, _ =	vpop (xrf2);
	[tilespmem:s18+$0xFFFFFFE0] =	vst v2  }
0x264: {  	[tilespmem:v7+s10+$0x0] =	vst.idx.msk vm0, v6  }
0x265: {  	[tilespmem:s18+$0xFFFFFFF0] =	vst v2;
	v6, _, _ =	vpop (xrf2)  }
0x266: {  	[tilespmem:v8+s10+$0x0] =	vst.idx.msk vm0, v6  }
0x267: {  	s31 =	simm.s32 $0x70;
	[tilespmem:s18+$0x0] =	vst v2  }
0x268: {  	v11 =	vld [tilespmem:s31+$0x9080];
	_ =	sdelay $0x4  }
0x269: {  	(xrf2) =	vadd.scan.msk.f32 $0xffff, v11;
	_ =	sdelay $0x2  }
0x26a: {  	s29 =	spop (v2sf)  }
0x26b: {  	s14 =	ssub.f32 s14, s29  }
0x26c: {  	s16 =	simm.s32 $0x60  }
0x26d: {  	v5 =	vmov s14;
	s14 =	simm.s32 $0x50;
	v9 =	vld [tilespmem:s16+$0x9080]  }
0x26e: {  	v7 =	vld [tilespmem:s14+$0x9080];
	_ =	sdelay $0x1  }
0x26f: {  	s17 =	simm.s32 $0x40  }
0x270: {  	v10 =	vld [tilespmem:s17+$0x9080];
	v8, _, _ =	vpop (xrf2)  }
0x271: {  	(xrf2) =	vadd.scan.msk.f32 $0xffff, v9;
	(v2sf) =	vpush v8, $0xF  }
0x272: {  	(xrf2) =	vadd.scan.msk.f32 $0xffff, v7;
	_ =	sdelay $0x2  }
0x273: {  	(xrf2) =	vadd.scan.msk.f32 $0xffff, v10;
	_ =	sdelay $0x5  }
0x274: {  	v13, _, _ =	vpop (xrf2)  }
0x275: {  	v12 =	vbroadcast v8, $0xF;
	v15, _, _ =	vpop (xrf2)  }
0x276: {  	v14 =	vbroadcast v13, $0xF;
	(v2sf) =	vpush v13, $0xF;
	v16 =	vbroadcast v15, $0xF  }
0x277: {  	s18 =	simm.s32 $0x30;
	v12 =	vsub.f32 v12, v8;
	(v2sf) =	vpush v15, $0xF  }
0x278: {  	v8 =	vld [tilespmem:s18+$0x9080];
	v17 =	vsub.f32 v14, v13;
	v13 =	vsub.f32 v16, v15;
	v15, _, _ =	vpop (xrf2)  }
0x279: {  	s30 =	simm.f32 $0.0e+00;
	s21 =	spop (v2sf);
	(v2sf) =	vpush v15, $0xF  }
0x27a: {  	v12 =	vadd.f32 s30, v12;
	_ =	sdelay $0x1  }
0x27b: {  	v11 =	vadd.f32 v12, v11  }
0x27c: {  	s19 =	simm.s32 $0x20;
	(xrf2) =	vadd.scan.msk.f32 $0xffff, v8  }
0x27d: {  	vm2 =	vge.f32 v11, v5;
	v11 =	vld [tilespmem:s19+$0x9080];
	_ =	sdelay $0x1  }
0x27e: {  	s20 =	sadd.f32 s21, s30  }
0x27f: {  	v6 =	vimm.s32 $0x0  }
0x280: {  	[tilespmem:s31+$0x9180] =	vst v12;
	v14 =	vsel vm2, $0x1, v3;
	v16 =	vbroadcast v15, $0xF;
	s21 =	simm.s32 $0x40;
	v12 =	vadd.f32 s20, v17  }
.LBB2_38:
0x281: {  	s22 =	sshra.s32 s21, $0x2;
	p0 =	sne.s32 s21, $0x0;
	s21 =	sadd.s32 $0xFFFFFFC0, s21;
	(xrf2) =	vadd.scan.msk.f32 $0xffff, v11;
	v6 =	vadd.s32 v14, v6;
	v14 =	vmov v11  }
.Ltmp18:
0x282: {  	v11 =	vld [tilespmem:s22+$0x9080];
	v17 =	vsub.f32 v16, v15;
	[tilespmem:s16+$0x9180] =	vst v12;
	v12 =	vadd.f32 v12, v9;
	v9 =	vmovc v7;
	v7 =	vmov v10;
	s16 =	smov.u32 s14;
	s14 =	smov.u32 s17;
	(pc) =	sbr.rel @p0 .LBB2_38-.Ltmp18, $4  }
0x283: {  	v10 =	vmov v8;
	v8 =	vmov v14;
	s17 =	smov.u32 s18;
	s18 =	smov.u32 s19;
	s23 =	spop (v2sf)  }
0x284: {  	s19 =	smov.u32 s22;
	vm2 =	vge.f32 v12, v5;
	s20 =	sadd.f32 s23, s20  }
0x285: {  	v15, _, _ =	vpop (xrf2);
	v14 =	vsel vm2, $0x1, v3  }
0x286: {  	v16 =	vbroadcast v15, $0xF;
	(v2sf) =	vpush v15, $0xF;
	v12 =	vadd.f32 s20, v13;
	v13 =	vmovc v17  }
0x287: {  	_ =	sdelay $0x3  }
0x288: {  	v17, _, _ =	vpop (xrf2)  }
0x289: {  	(v2sf) =	vpush v17, $0xF;
	_ =	sdelay $0x2  }
0x28a: {  	(xrf2) =	vadd.scan.msk.f32 $0xffff, v11;
	_ =	sdelay $0x5  }
0x28b: {  	s21 =	spop (v2sf)  }
0x28c: {  	s20 =	sadd.f32 s21, s20  }
0x28d: {  	s26 =	spop (v2sf)  }
0x28e: {  	s21 =	sadd.f32 s26, s20  }
0x28f: {  	v18 =	vbroadcast v17, $0xF;
	v60, _, _ =	vpop (xrf2);
	s22 =	spop (v2sf)  }
0x290: {  	v15 =	vsub.f32 v16, v15;
	v9 =	vadd.f32 v12, v9;
	v61 =	vbroadcast v60, $0xF;
	s28 =	sadd.f32 s22, s21  }
0x291: {  	v13 =	vadd.f32 s20, v13;
	v17 =	vsub.f32 v18, v17;
	s29 =	spop (v2sf)  }
0x292: {  	v6 =	vadd.s32 v14, v6;
	v15 =	vadd.f32 s21, v15;
	v18 =	vsub.f32 v61, v60;
	s20 =	sadd.f32 s29, s28  }
0x293: {  	vm2 =	vge.f32 v9, v5;
	v7 =	vadd.f32 v13, v7;
	v17 =	vadd.f32 s28, v17  }
0x294: {  	v9 =	vsel vm2, $0x1, v3;
	v10 =	vadd.f32 v15, v10;
	v62 =	vadd.f32 s20, v18  }
0x295: {  	v6 =	vadd.s32 v9, v6;
	vm2 =	vge.f32 v7, v5;
	v7 =	vadd.f32 v17, v8  }
0x296: {  	v8 =	vsel vm2, $0x1, v3;
	vm2 =	vge.f32 v10, v5;
	v9 =	vadd.f32 v62, v11  }
0x297: {  	v6 =	vadd.s32 v8, v6;
	v8 =	vsel vm2, $0x1, v3;
	vm2 =	vge.f32 v7, v5  }
0x298: {  	v6 =	vadd.s32 v8, v6;
	v7 =	vsel vm2, $0x1, v3;
	vm2 =	vge.f32 v9, v5  }
0x299: {  	v5 =	vadd.s32 v7, v6;
	v6 =	vsel vm2, $0x1, v3  }
0x29a: {  	v5 =	vadd.s32 v6, v5  }
0x29b: {  	(xrf0) =	vadd.scan.msk.s32 $0xffff, v5;
	_ =	sdelay $0x5  }
0x29c: {  	(v2sf) =	vpush v60, $0xF;
	v5, _, _ =	vpop (xrf0)  }
0x29d: {  	(v2sf) =	vpush v5, $0xF;
	_ =	sdelay $0x8  }
0x29e: {  	[tilespmem:s16+$0x9180] =	vst v12  }
0x29f: {  	[tilespmem:s14+$0x9180] =	vst v13  }
0x2a0: {  	[tilespmem:s17+$0x9180] =	vst v15  }
0x2a1: {  	[tilespmem:s18+$0x9180] =	vst v17  }
0x2a2: {  	s30 =	simm.s32 $0x40;
	[tilespmem:s19+$0x9180] =	vst v62  }
0x2a3: {  	v6 =	vld [tilespmem:s30+$0xFFFFFFC0];
	s31 =	spop (v2sf)  }
0x2a4: {  	s14 =	spop (v2sf)  }
0x2a5: {  	s15 =	sshll.u32 s15, $0x7;
	v7 =	vld [tilespmem:s30+$0xFFFFFFD0];
	s14 =	sadd.s32 $0xFFFFFFFF, s14  }
0x2a6: {  	s14 =	sor.u32 s15, s14  }
0x2a7: {  	v8 =	vld [tilespmem:s30+$0xFFFFFFE0];
	v5 =	vmov s14  }
0x2a8: {  	vm2 =	vlt.s32 v5, v6  }
0x2a9: {  	v11 =	vld [tilespmem:s30+$0xFFFFFFF0];
	v9 =	vimm.f32 $0.0e+00;
	v6 =	vnsel vm2, $0x0, v6;
	v10 =	vsel vm2, $0x3F800000, v2  }
0x2aa: {  	vm2 =	vlt.s32 v5, v7;
	v6 =	vadd.f32 v6, v9;
	v9 =	vadd.f32 v10, v9  }
0x2ab: {  	v7 =	vnsel vm2, $0x0, v7;
	v10 =	vsel vm2, $0x3F800000, v2  }
0x2ac: {  	v12 =	vld [tilespmem:s30+$0x0];
	vm2 =	vlt.s32 v5, v8;
	v7 =	vadd.f32 v7, v6;
	v9 =	vadd.f32 v10, v9  }
0x2ad: {  	v8 =	vnsel vm2, $0x0, v8;
	v10 =	vsel vm2, $0x3F800000, v2  }
0x2ae: {  	v6 =	vld [tilespmem:s30+$0x10];
	vm2 =	vlt.s32 v5, v11;
	v7 =	vadd.f32 v8, v7;
	v8 =	vadd.f32 v10, v9  }
0x2af: {  	v10 =	vsel vm2, $0x3F800000, v2  }
0x2b0: {  	v9 =	vnsel vm2, $0x0, v11;
	v11 =	vadd.f32 v10, v8;
	v8 =	vld [tilespmem:s30+$0x20]  }
0x2b1: {  	vm2 =	vlt.s32 v5, v12;
	v9 =	vadd.f32 v9, v7  }
0x2b2: {  	v63 =	vsel vm2, $0x3F800000, v2;
	v10 =	vnsel vm2, $0x0, v12;
	v7 =	vld [tilespmem:s30+$0x30]  }
0x2b3: {  	s16 =	simm.s32 $0xC0;
	s15 =	simm.s32 $0x0;
	vm2 =	vlt.s32 v5, v6;
	v10 =	vadd.f32 v10, v9;
	v9 =	vadd.f32 v63, v11  }
.LBB2_40:
0x2b4: {  	v11 =	vld [tilespmem:s16+$0xFFFFFFC0];
	s15 =	sadd.s32 $0x80, s15;
	v6 =	vnsel vm2, $0x0, v6;
	v12 =	vsel vm2, $0x3F800000, v2  }
0x2b5: {  	p0 =	slt.u32 s15, $0x7F80;
	v6 =	vadd.f32 v6, v10;
	v9 =	vadd.f32 v12, v9;
	vm2 =	vlt.s32 v5, v8  }
0x2b6: {  	v10 =	vld [tilespmem:s16+$0xFFFFFFD0];
	v8 =	vnsel vm2, $0x0, v8;
	v12 =	vsel vm2, $0x3F800000, v2  }
0x2b7: {  	v6 =	vadd.f32 v8, v6;
	v8 =	vadd.f32 v12, v9;
	vm2 =	vlt.s32 v5, v7  }
0x2b8: {  	v9 =	vld [tilespmem:s16+$0xFFFFFFE0];
	v7 =	vnsel vm2, $0x0, v7;
	v12 =	vsel vm2, $0x3F800000, v2  }
0x2b9: {  	vm2 =	vlt.s32 v5, v11;
	v6 =	vadd.f32 v7, v6;
	v7 =	vadd.f32 v12, v8  }
0x2ba: {  	v8 =	vnsel vm2, $0x0, v11;
	v11 =	vsel vm2, $0x3F800000, v2;
	v12 =	vld [tilespmem:s16+$0xFFFFFFF0]  }
0x2bb: {  	v6 =	vadd.f32 v8, v6;
	v7 =	vadd.f32 v11, v7;
	vm2 =	vlt.s32 v5, v10  }
0x2bc: {  	v8 =	vnsel vm2, $0x0, v10;
	v10 =	vsel vm2, $0x3F800000, v2;
	v11 =	vld [tilespmem:s16+$0x0]  }
0x2bd: {  	v8 =	vadd.f32 v8, v6;
	v7 =	vadd.f32 v10, v7;
	vm2 =	vlt.s32 v5, v9  }
0x2be: {  	v9 =	vnsel vm2, $0x0, v9;
	v10 =	vsel vm2, $0x3F800000, v2;
	v6 =	vld [tilespmem:s16+$0x10]  }
.Ltmp19:
0x2bf: {  	v9 =	vadd.f32 v9, v8;
	v7 =	vadd.f32 v10, v7;
	vm2 =	vlt.s32 v5, v12;
	(pc) =	sbr.rel @p0 .LBB2_40-.Ltmp19, $4  }
0x2c0: {  	v10 =	vnsel vm2, $0x0, v12;
	v12 =	vsel vm2, $0x3F800000, v2;
	v8 =	vld [tilespmem:s16+$0x20]  }
0x2c1: {  	v9 =	vadd.f32 v10, v9;
	v12 =	vadd.f32 v12, v7;
	vm2 =	vlt.s32 v5, v11  }
0x2c2: {  	v10 =	vnsel vm2, $0x0, v11;
	v11 =	vsel vm2, $0x3F800000, v2;
	v7 =	vld [tilespmem:s16+$0x30]  }
0x2c3: {  	s16 =	sadd.s32 $0x80, s16;
	v10 =	vadd.f32 v10, v9;
	v9 =	vadd.f32 v11, v12;
	vm2 =	vlt.s32 v5, v6  }
0x2c4: {  	v6 =	vnsel vm2, $0x0, v6  }
0x2c5: {  	v11 =	vsel vm2, $0x3F800000, v2;
	v6 =	vadd.f32 v6, v10;
	vm2 =	vlt.s32 v5, v8  }
0x2c6: {  	v9 =	vadd.f32 v11, v9;
	v8 =	vnsel vm2, $0x0, v8  }
0x2c7: {  	v62 =	vsel vm2, $0x3F800000, v2;
	v6 =	vadd.f32 v8, v6;
	vm2 =	vlt.s32 v5, v7  }
0x2c8: {  	v5 =	vadd.f32 v62, v9;
	v7 =	vnsel vm2, $0x0, v7  }
0x2c9: {  	v63 =	vsel vm2, $0x3F800000, v2;
	v6 =	vadd.f32 v7, v6  }
0x2ca: {  	v5 =	vadd.f32 v63, v5  }
0x2cb: {  	(xrf2) =	vadd.scan.msk.f32 $0xffff, v6  }
0x2cc: {  	(xrf2) =	vadd.scan.msk.f32 $0xffff, v5;
	_ =	sdelay $0x5  }
0x2cd: {  	(xrf2) =	vadd.scan.msk.f32 $0xffff, v4;
	_ =	sdelay $0x2  }
0x2ce: {  	v4, _, _ =	vpop (xrf2)  }
0x2cf: {  	v5, _, _ =	vpop (xrf2);
	(v2sf) =	vpush v4, $0xF  }
0x2d0: {  	(v2sf) =	vpush v5, $0xF;
	_ =	sdelay $0x4  }
0x2d1: {  	v4, _, _ =	vpop (xrf2)  }
0x2d2: {  	(v2sf) =	vpush v4, $0xF;
	_ =	sdelay $0x7  }
0x2d3: {  	s15 =	spop (v2sf)  }
0x2d4: {  	s16 =	spop (v2sf)  }
0x2d5: {  	s16 =	ssub.f32 $3.277000000e+03, s16;
	_ =	sdelay $0x1  }
0x2d6: {  	s14 =	smul.f32 s14, s16;
	_ =	sdelay $0x1  }
0x2d7: {  	s14 =	sadd.f32 s14, s15  }
0x2d8: {  	s31 =	spop (v2sf)  }
0x2d9: {  	s15 =	ssub.f32 s31, s14  }
0x2da: {  	s14 =	smul.f32 $3.051571550e-04, s14  }
0x2db: {  	s15 =	smul.f32 $-3.390865090e-05, s15;
	_ =	sdelay $0x1  }
0x2dc: {  	s14 =	sadd.f32 s15, s14;
	_ =	sdelay $0x1  }
0x2dd: {  	v4 =	vmov s14  }
0x2de: {  	v4 =	vnsel vm1, $0x0, v4  }
0x2df: {  	v4 =	vadd.f32 $0.0e+00, v4  }
0x2e0: {  	s13 =	sadd.s32 $0x1, s13  }
0x2e1: {  	p0 =	sne.s32 s13, s5;
	[tilespmem:$0x8000] =	vst v4  }
0x2e2: {  	[hbm4b:s4+s2] =	stream.linear.scatter [tilespmem:s12], [sflag:$0x1], $0x80, $0x38;
	[tilespmem:$0x9280] =	vst v63  }
.Ltmp20:
0x2e3: {  	_ = 	snop;
	(pc) =	sbr.rel @p0 .LBB2_1-.Ltmp20, $4  }
.Ltmp21:
0x2e4: {  	_ = 	snop;
	(pc) =	sbr.rel @!p0 .LBB2_42-.Ltmp21, $4  }
0x2e5: {  	_ =	swait.ge [sflag:s8], $0x80  }
0x2e6: {  	[sflag:s8] =	ssyncset.done $0x0  }
0x2e7: {  	[sflag:s8] =	ssyncadd.s32 $0xFFFFFF80  }
0x2e8: {  	_ = 	snop  }
.LBB2_8:
.Ltmp22:
0x2e9: {  	_ = 	snop;
	(pc) =	sbr.rel .LBB2_21-.Ltmp22, $2  }
0x2ea: {  	_ =	sdelay $0x2  }
0x2eb: {  	v15 =	vimm.s32 $0x0;
	s16 =	simm.s32 $0xF0;
	s23 =	simm.f32 $0.0e+00;
	v6 =	vmov v7  }
.LBB2_10:
.Ltmp23:
0x2ec: {  	_ = 	snop;
	(pc) =	sbr.rel .LBB2_21-.Ltmp23, $2  }
0x2ed: {  	_ =	sdelay $0x2  }
0x2ee: {  	v9 =	vmov v7;
	v15 =	vimm.s32 $0x0;
	s20 =	simm.s32 $0xF0;
	s16 =	simm.s32 $0xE0;
	s23 =	simm.f32 $0.0e+00;
	v6 =	vmov v11  }
.LBB2_12:
.Ltmp24:
0x2ef: {  	_ = 	snop;
	(pc) =	sbr.rel .LBB2_21-.Ltmp24, $3  }
0x2f0: {  	_ =	sdelay $0x1  }
0x2f1: {  	s22 =	simm.s32 $0xF0  }
0x2f2: {  	v23 =	vmovc v7;
	v9 =	vmov v11;
	v15 =	vimm.s32 $0x0;
	s20 =	simm.s32 $0xE0;
	s16 =	simm.s32 $0xD0;
	s23 =	simm.f32 $0.0e+00;
	v6 =	vmov v14  }
.LBB2_14:
.Ltmp25:
0x2f3: {  	(pc) =	sbr.rel .LBB2_21-.Ltmp25, $3  }
0x2f4: {  	_ =	sdelay $0x1  }
0x2f5: {  	v23 =	vmov v11;
	s19 =	simm.s32 $0xF0  }
0x2f6: {  	v15 =	vimm.s32 $0x0;
	v20 =	vmovc v7;
	s22 =	simm.s32 $0xE0;
	s20 =	simm.s32 $0xD0;
	s23 =	simm.f32 $0.0e+00;
	v24 =	vmovc v12;
	v6 =	vmov v9;
	v9 =	vmov v14  }
.LBB2_16:
.Ltmp26:
0x2f7: {  	(pc) =	sbr.rel .LBB2_21-.Ltmp26, $3  }
0x2f8: {  	_ =	sdelay $0x1  }
0x2f9: {  	s17 =	simm.s32 $0xF0;
	s19 =	simm.s32 $0xE0;
	s22 =	simm.s32 $0xD0;
	v15 =	vimm.s32 $0x0;
	v10 =	vmovc v16;
	v21 =	vmov v7;
	v20 =	vmov v11  }
0x2fa: {  	v23 =	vmovc v14;
	s20 =	simm.s32 $0xC0;
	s16 =	simm.s32 $0xB0;
	s23 =	simm.f32 $0.0e+00;
	v13 =	vmovc v18;
	v8 =	vmov v19;
	v24 =	vmov v22;
	v6 =	vmov v25  }
0x2fb: {  	_ = 	snop  }
.LBB2_18:
.Ltmp27:
0x2fc: {  	(pc) =	sbr.rel .LBB2_21-.Ltmp27, $3  }
0x2fd: {  	_ =	sdelay $0x1  }
0x2fe: {  	s17 =	simm.s32 $0xE0  }
0x2ff: {  	v23 =	vmovc v9;
	v15 =	vimm.s32 $0x0;
	v21 =	vmovc v11;
	v20 =	vmov v14;
	s19 =	simm.s32 $0xD0;
	s22 =	simm.s32 $0xC0;
	v9 =	vmov v25;
	s16 =	simm.s32 $0xA0  }
.LBB2_42:
0x300: {  	_ =	sfence.sel $0x180000  }
0x301: {  	[bflag:$0x0] =	sbarrier.arrive $0xFFFF  }
0x302: {  	p0 =	sne.s32 s1, $0x0;
	_ =	strace $0x90000047  }
0x303: {  	s0 =	sadd.s32 @!p0 $0x100000, s0;
	[bflag:$0x2] =	sbarrier.arrive $0xFFFF  }
0x304: {  	[sflag:s0] =	ssyncadd.tile.s32 @!p0 $0x1;
	_ =	shalt  }
.Lfunc_end2:
_tile_overlayer_lowered:
.L_overlay_start_2:
0x305: {  	(tag) =	ssettag $0x2  }
0x306: {  	s0 =	rddreg [dreg:$0x0];
	s2 =	stileid.u32  }
0x307: {  	s1 =	rddreg [dreg:$0x1];
	p0 =	sne.s32 s2, $0x0  }
0x308: {  	s3 =	rddreg [dreg:$0x2];
	[bflag:$0x3] =	sbarrier.arrive $0xFFFF;
	s2 =	simm.s32 @!p0 $0x1C01  }
0x309: {  	[timem:s3], [sflag:s2] =	dma.local @!p0 [hbm:s0], s1  }
0x30a: {  	s0 =	simm.s32 @!p0 $0x1  }
0x30b: {  	_ =	swait.ge @!p0 [sflag:s0], s1  }
0x30c: {  	s1 =	ssub.s32 @!p0 $0x0, s1;
	[sflag:s0] =	ssyncset.done @!p0 $0x0  }
0x30d: {  	[sflag:s0] =	ssyncadd.s32 @!p0 s1  }
0x30e: {  	[bflag:$0x3] =	sbarrier.arrive $0xFFFF  }
0x30f: {  	_ =	shalt  }

</sc_bundles>
